<compile_context>
chip_gen: v7x
topology: tpu7x:2x2x1
jax: 0.10.2.dev20260603
libtpu: 0.0.44.dev20260713+nightly
codegen_flags: <defaults>
</compile_context>

<pallas_src>
import jax
import jax.numpy as jnp
from jax import lax
from jax.experimental import pallas as pl
from jax.experimental.pallas import tpu as pltpu
from jax.experimental.pallas import tpu_sc as plsc

N = 10000
E = 320000
D = 128

NC = 2
NS = 16
NW = NC * NS
C = 80
ROWS = E // C
ROWS_PER_TILE = ROWS // NW
ROWS_PER_SUB = ROWS // NS
N_PAD = 10240
NODES_PER_SUB = N_PAD // NS
HROWS = N_PAD // D

_MESH = plsc.VectorSubcoreMesh(
    core_axis_name="c", subcore_axis_name="s", num_cores=NC, num_subcores=NS)



def _sc_degrees_body(eidx, zeros8, deg_out, idx_v, hist, iota80, deg_sh):
    c = lax.axis_index("c")
    s = lax.axis_index("s")
    r = lax.iota(jnp.int32, 16)
    zvec = jnp.zeros((16,), jnp.float32)
    ones_vec = jnp.ones((16,), jnp.float32)

    def zrow(i, carry):
        for j in range(8):
            hist[i, pl.ds(16 * j, 16)] = zvec
        return carry

    lax.fori_loop(0, HROWS, zrow, 0)
    for k in range(5):
        iota80[pl.ds(16 * k, 16)] = r + 16 * k

    @pl.when(s < HROWS // 8)
    def _():
        pltpu.sync_copy(zeros8, deg_sh.at[pl.ds(8 * s, 8)])

    plsc.subcore_barrier()

    pltpu.sync_copy(eidx.at[c, s], idx_v)

    def body(i, carry):
        for j in range(C // 16):
            x = idx_v[i, pl.ds(16 * j, 16)]
            plsc.addupdate_scatter(
                hist,
                [lax.shift_right_logical(x, 7), lax.bitwise_and(x, 127)],
                ones_vec)
        return carry

    lax.fori_loop(0, ROWS_PER_SUB, body, 0)
    pltpu.sync_copy(hist, deg_sh.at[iota80], add=True)
    plsc.subcore_barrier()

    @pl.when(s < HROWS // 8)
    def _():
        pltpu.sync_copy(deg_sh.at[pl.ds(8 * s, 8)],
                        deg_out.at[c, pl.ds(8 * s, 8)])


def _sc_msgpass_body(hs, sidx, didx, zeros, out,
                     sidx_all, didx_v0, didx_v1, buf0, buf1, agg_sh,
                     sem0, sem1, semd0, semd1, semi):
    c = lax.axis_index("c")
    s = lax.axis_index("s")
    t = c * NS + s
    pltpu.async_copy(sidx.at[t], sidx_all, semi)
    pltpu.sync_copy(zeros, agg_sh.at[pl.ds(s * NODES_PER_SUB, NODES_PER_SUB)])
    pltpu.make_async_copy(sidx.at[t], sidx_all, semi).wait()
    plsc.subcore_barrier()

    def gather(i, buf, sem):
        pltpu.async_copy(hs.at[sidx_all.at[i]], buf, sem)

    def gwait(buf, sem):
        pltpu.make_async_copy(hs.at[sidx_all.at[0]], buf, sem).wait()

    def dload(i, dbuf, sem):
        pltpu.async_copy(didx.at[t, i], dbuf, sem)

    def dwait(dbuf, sem):
        pltpu.make_async_copy(didx.at[t, 0], dbuf, sem).wait()

    def scat(dbuf, buf):
        pltpu.sync_copy(buf, agg_sh.at[dbuf], add=True)

    gather(0, buf0, sem0)
    dload(0, didx_v0, semd0)

    def body(k, carry):
        i = 2 * k
        gather(i + 1, buf1, sem1)
        dload(i + 1, didx_v1, semd1)
        gwait(buf0, sem0)
        dwait(didx_v0, semd0)
        scat(didx_v0, buf0)
        gather(i + 2, buf0, sem0)
        dload(i + 2, didx_v0, semd0)
        gwait(buf1, sem1)
        dwait(didx_v1, semd1)
        scat(didx_v1, buf1)
        return carry

    lax.fori_loop(0, (ROWS_PER_TILE - 1) // 2, body, 0)
    gwait(buf0, sem0)
    dwait(didx_v0, semd0)
    scat(didx_v0, buf0)
    plsc.subcore_barrier()
    pltpu.sync_copy(agg_sh.at[pl.ds(s * NODES_PER_SUB, NODES_PER_SUB)],
                    out.at[c, pl.ds(s * NODES_PER_SUB, NODES_PER_SUB)])


def _make_sc_degrees(interpret=False):
    return pl.kernel(
        _sc_degrees_body,
        out_type=jax.ShapeDtypeStruct((NC, HROWS, D), jnp.float32),
        mesh=_MESH,
        scratch_types=[
            pltpu.VMEM((ROWS_PER_SUB, C), jnp.int32),
            pltpu.VMEM((HROWS, D), jnp.float32),
            pltpu.VMEM((HROWS,), jnp.int32),
            pltpu.VMEM_SHARED((HROWS, D), jnp.float32),
        ],
        compiler_params=pltpu.CompilerParams(needs_layout_passes=False),
        interpret=interpret,
    )


def _make_sc_msgpass(interpret=False):
    return pl.kernel(
        _sc_msgpass_body,
        out_type=jax.ShapeDtypeStruct((NC, N_PAD, D), jnp.float32),
        mesh=_MESH,
        scratch_types=[
            pltpu.VMEM((ROWS_PER_TILE, C), jnp.int32),
            pltpu.VMEM((C,), jnp.int32),
            pltpu.VMEM((C,), jnp.int32),
            pltpu.VMEM((C, D), jnp.float32),
            pltpu.VMEM((C, D), jnp.float32),
            pltpu.VMEM_SHARED((N_PAD, D), jnp.float32),
            pltpu.SemaphoreType.DMA,
            pltpu.SemaphoreType.DMA,
            pltpu.SemaphoreType.DMA,
            pltpu.SemaphoreType.DMA,
            pltpu.SemaphoreType.DMA,
        ],
        interpret=interpret,
    )


_sc_degrees = _make_sc_degrees()
_sc_msgpass = _make_sc_msgpass()



def _norms(deg_ref):
    ds = deg_ref[0].reshape(N_PAD)[:N]
    dd = deg_ref[1].reshape(N_PAD)[:N]
    ns = jnp.where(ds > 0, lax.rsqrt(ds), 0.0)
    nd = jnp.where(dd > 0, lax.rsqrt(dd), 0.0)
    return ns, nd


def _tc1_body(x_ref, w_ref, b_ref, deg_ref, out_ref):
    ns, _ = _norms(deg_ref)
    h = jnp.dot(x_ref[...], w_ref[...], preferred_element_type=jnp.float32)
    out_ref[...] = (h + b_ref[...]) * ns[:, None]


_tc1 = pl.pallas_call(
    _tc1_body, out_shape=jax.ShapeDtypeStruct((N, D), jnp.float32))


def _tc2_body(p_ref, deg_ref, b_ref, out_ref):
    ns, nd = _norms(deg_ref)
    agg = (p_ref[0, :N] + p_ref[1, :N]) * nd[:, None]
    h = jnp.maximum(agg + b_ref[...], 0.0)
    out_ref[...] = h * ns[:, None]


_tc2 = pl.pallas_call(
    _tc2_body, out_shape=jax.ShapeDtypeStruct((N, D), jnp.float32))


def _tc3_body(p_ref, deg_ref, w_ref, b_ref, out_ref):
    _, nd = _norms(deg_ref)
    agg = (p_ref[0, :N] + p_ref[1, :N]) * nd[:, None]
    h = jnp.dot(agg, w_ref[...], preferred_element_type=jnp.float32)
    out_ref[...] = jnp.maximum(h + b_ref[...], 0.0)


_tc3 = pl.pallas_call(
    _tc3_body, out_shape=jax.ShapeDtypeStruct((N, D), jnp.float32))



def kernel(x, edge_index, W_fc, b_fc, b_gc1, W_gc2, b_gc2):
    ei = edge_index.astype(jnp.int32)
    eidx3 = ei.reshape(2, NS, ROWS_PER_SUB, C)
    sidx = ei[0].reshape(NW, ROWS_PER_TILE, C)
    didx = ei[1].reshape(NW, ROWS_PER_TILE, C)
    zeros8 = jnp.zeros((8, D), jnp.float32)
    zerosD = jnp.zeros((NODES_PER_SUB, D), jnp.float32)

    deg = _sc_degrees(eidx3, zeros8)
    hs = _tc1(x, W_fc, b_fc.reshape(1, D), deg)
    p1 = _sc_msgpass(hs, sidx, didx, zerosD)
    hs1 = _tc2(p1, deg, b_gc1.reshape(1, D))
    p2 = _sc_msgpass(hs1, sidx, didx, zerosD)
    return _tc3(p2, deg, W_gc2, b_gc2.reshape(1, D))

# --- scband reference (transcript-rebuilt; emitter-appended) ---
"""Pipeline reference for scband-gcn-23055384445692 (READ-ONLY COPY).

The authoritative reference and input builder live on the scoring server;
editing this copy changes nothing except your own understanding.
"""

import jax, jax.numpy as jnp
import numpy as np

N = 10000
E = 320000
D_IN = 128
D_HID = 128


def _gcn_layer(h, src, dst, n_nodes, W=None, b=None):
    # DGL GraphConv with norm='both', allow_zero_in_degree=True:
    #   h' = D_in^{-1/2} A D_out^{-1/2} h [W] [+ b], then activation
    deg_out = jnp.bincount(src, length=n_nodes).astype(h.dtype)
    deg_in = jnp.bincount(dst, length=n_nodes).astype(h.dtype)
    norm_src = jnp.where(deg_out > 0, deg_out ** -0.5, 0.0)
    norm_dst = jnp.where(deg_in > 0, deg_in ** -0.5, 0.0)
    h = h * norm_src[:, None]
    msgs = jnp.take(h, src, axis=0)              # gather over edges
    agg = jax.ops.segment_sum(msgs, dst, num_segments=n_nodes)  # scatter-add
    agg = agg * norm_dst[:, None]
    if W is not None:
        agg = agg @ W
    if b is not None:
        agg = agg + b
    return jax.nn.relu(agg)


def setup_inputs(seed: int = 0) -> dict:
    key = jax.random.key(seed)
    k1, k2, k3, k4, k5, k6, k7 = jax.random.split(key, 7)
    x = jax.random.normal(k1, (N, D_IN), dtype=jnp.float32)
    edge_index = jax.random.randint(k2, (2, E), 0, N, dtype=jnp.int64)
    # fc_list[0]: Linear(D_IN, D_HID), xavier_normal gain=1.414
    std = 1.414 * (2.0 / (D_IN + D_HID)) ** 0.5
    W_fc = jax.random.normal(k3, (D_IN, D_HID), dtype=jnp.float32) * std
    b_fc = jnp.zeros((D_HID,), dtype=jnp.float32)
    # layer 0: GraphConv(weight=False) -> bias only
    b_gc1 = jnp.zeros((D_HID,), dtype=jnp.float32)
    # layer 1: GraphConv with weight + bias
    W_gc2 = jax.random.normal(k5, (D_HID, D_HID), dtype=jnp.float32) * (1.0 / D_HID ** 0.5)
    b_gc2 = jnp.zeros((D_HID,), dtype=jnp.float32)
    return {"x": x, "edge_index": edge_index, "W_fc": W_fc, "b_fc": b_fc,
            "b_gc1": b_gc1, "W_gc2": W_gc2, "b_gc2": b_gc2}


def reference(x, edge_index, W_fc, b_fc, b_gc1, W_gc2, b_gc2):
    # 'pretrain' path with a single node-type feature list:
    # per-type Linear -> concat -> num_layers GraphConv (dropout p=0.0 = identity)
    src = edge_index[0]
    dst = edge_index[1]
    h = x @ W_fc + b_fc
    h = _gcn_layer(h, src, dst, N, W=None, b=b_gc1)
    h = _gcn_layer(h, src, dst, N, W=W_gc2, b=b_gc2)
    return h

if __name__ == "__main__":
    import jax
    _d = setup_inputs()
    print(jax.jit(kernel)(*tuple(_d.values())))

</pallas_src>

<mosaic_0001>
#map = affine_map<(d0, d1) -> (0, 0, 0, 0)>
#map1 = affine_map<(d0, d1) -> (0, 0)>
#map2 = affine_map<(d0, d1) -> (0, 0, 0)>
module attributes {stable_mosaic.version = 14 : i64} {
  func.func @_sc_degrees_body(%arg0: i32, %arg1: i32, %arg2: memref<2x16x250x80xi32, #tpu.memory_space<hbm>>, %arg3: memref<8x128xf32, #tpu.memory_space<hbm>>, %arg4: memref<2x80x128xf32, #tpu.memory_space<hbm>>, %arg5: memref<250x80xi32, #tpu.memory_space<vmem>>, %arg6: memref<80x128xf32, #tpu.memory_space<vmem>>, %arg7: memref<80xi32, #tpu.memory_space<vmem>>, %arg8: memref<80x128xf32, #tpu.memory_space<vmem_shared>>) attributes {dimension_semantics = [#tpu.dimension_semantics<core_parallel>, #tpu.dimension_semantics<subcore_parallel>], iteration_bounds = array<i64: 2, 16>, scalar_prefetch = 0 : i64, scratch_operands = 4 : i64, tpu.core_type = #tpu.core_type<sc_vector_subcore>, window_params = [{transform_indices = #map}, {transform_indices = #map1}, {transform_indices = #map2}]} {
    %iota3A = tpu.iota {dimensions = array<i32: 0>} : vector<16xi32>
    %broadcast_in_dim3A = arith.constant 0.000000e+00 : f32
    %broadcast_in_dim3A_0 = vector.broadcast %broadcast_in_dim3A : f32 to vector<16xf32>
    %broadcast_in_dim3A_1 = arith.constant 1.000000e+00 : f32
    %broadcast_in_dim3A_2 = vector.broadcast %broadcast_in_dim3A_1 : f32 to vector<16xf32>
    %scan3A = arith.constant 0 : i32
    %scan3A_3 = arith.constant 0 : i32
    %scan3A_4 = arith.constant 80 : i32
    %scan3A_5 = arith.addi %scan3A_3, %scan3A_4 : i32
    %scan3A_6 = arith.constant 1 : i32
    scf.for %scan3A_45 = %scan3A_3 to %scan3A_5 step %scan3A_6  : i32 {
      %swap3A_46 = arith.index_cast %scan3A_45 : i32 to index
      %swap3A_47 = arith.constant 0 : index
      %swap3A_48 = tpu.vector_load %arg6[%swap3A_46, %swap3A_47] {strides = array<i32>} : memref<80x128xf32, #tpu.memory_space<vmem>>, vector<16xf32>,
      tpu.vector_store %arg6[%swap3A_46, %swap3A_47], %broadcast_in_dim3A_0 {strides = array<i32>} : memref<80x128xf32, #tpu.memory_space<vmem>>, vector<16xf32>,
      %swap3A_49 = arith.index_cast %scan3A_45 : i32 to index
      %swap3A_50 = arith.constant 16 : index
      %swap3A_51 = tpu.vector_load %arg6[%swap3A_49, %swap3A_50] {strides = array<i32>} : memref<80x128xf32, #tpu.memory_space<vmem>>, vector<16xf32>,
      tpu.vector_store %arg6[%swap3A_49, %swap3A_50], %broadcast_in_dim3A_0 {strides = array<i32>} : memref<80x128xf32, #tpu.memory_space<vmem>>, vector<16xf32>,
      %swap3A_52 = arith.index_cast %scan3A_45 : i32 to index
      %swap3A_53 = arith.constant 32 : index
      %swap3A_54 = tpu.vector_load %arg6[%swap3A_52, %swap3A_53] {strides = array<i32>} : memref<80x128xf32, #tpu.memory_space<vmem>>, vector<16xf32>,
      tpu.vector_store %arg6[%swap3A_52, %swap3A_53], %broadcast_in_dim3A_0 {strides = array<i32>} : memref<80x128xf32, #tpu.memory_space<vmem>>, vector<16xf32>,
      %swap3A_55 = arith.index_cast %scan3A_45 : i32 to index
      %swap3A_56 = arith.constant 48 : index
      %swap3A_57 = tpu.vector_load %arg6[%swap3A_55, %swap3A_56] {strides = array<i32>} : memref<80x128xf32, #tpu.memory_space<vmem>>, vector<16xf32>,
      tpu.vector_store %arg6[%swap3A_55, %swap3A_56], %broadcast_in_dim3A_0 {strides = array<i32>} : memref<80x128xf32, #tpu.memory_space<vmem>>, vector<16xf32>,
      %swap3A_58 = arith.index_cast %scan3A_45 : i32 to index
      %swap3A_59 = arith.constant 64 : index
      %swap3A_60 = tpu.vector_load %arg6[%swap3A_58, %swap3A_59] {strides = array<i32>} : memref<80x128xf32, #tpu.memory_space<vmem>>, vector<16xf32>,
      tpu.vector_store %arg6[%swap3A_58, %swap3A_59], %broadcast_in_dim3A_0 {strides = array<i32>} : memref<80x128xf32, #tpu.memory_space<vmem>>, vector<16xf32>,
      %swap3A_61 = arith.index_cast %scan3A_45 : i32 to index
      %swap3A_62 = arith.constant 80 : index
      %swap3A_63 = tpu.vector_load %arg6[%swap3A_61, %swap3A_62] {strides = array<i32>} : memref<80x128xf32, #tpu.memory_space<vmem>>, vector<16xf32>,
      tpu.vector_store %arg6[%swap3A_61, %swap3A_62], %broadcast_in_dim3A_0 {strides = array<i32>} : memref<80x128xf32, #tpu.memory_space<vmem>>, vector<16xf32>,
      %swap3A_64 = arith.index_cast %scan3A_45 : i32 to index
      %swap3A_65 = arith.constant 96 : index
      %swap3A_66 = tpu.vector_load %arg6[%swap3A_64, %swap3A_65] {strides = array<i32>} : memref<80x128xf32, #tpu.memory_space<vmem>>, vector<16xf32>,
      tpu.vector_store %arg6[%swap3A_64, %swap3A_65], %broadcast_in_dim3A_0 {strides = array<i32>} : memref<80x128xf32, #tpu.memory_space<vmem>>, vector<16xf32>,
      %swap3A_67 = arith.index_cast %scan3A_45 : i32 to index
      %swap3A_68 = arith.constant 112 : index
      %swap3A_69 = tpu.vector_load %arg6[%swap3A_67, %swap3A_68] {strides = array<i32>} : memref<80x128xf32, #tpu.memory_space<vmem>>, vector<16xf32>,
      tpu.vector_store %arg6[%swap3A_67, %swap3A_68], %broadcast_in_dim3A_0 {strides = array<i32>} : memref<80x128xf32, #tpu.memory_space<vmem>>, vector<16xf32>,
    }
    %scan3A_7 = arith.constant 80 : i32
    %add3A = arith.constant 0 : i32
    %add3A_8 = vector.broadcast %add3A : i32 to vector<16xi32>
    %add3A_9 = arith.addi %iota3A, %add3A_8 : vector<16xi32>
    %swap3A = arith.constant 0 : index
    %swap3A_10 = tpu.vector_load %arg7[%swap3A] {strides = array<i32>} : memref<80xi32, #tpu.memory_space<vmem>>, vector<16xi32>,
    tpu.vector_store %arg7[%swap3A], %add3A_9 {strides = array<i32>} : memref<80xi32, #tpu.memory_space<vmem>>, vector<16xi32>,
    %add3A_11 = arith.constant 16 : i32
    %add3A_12 = vector.broadcast %add3A_11 : i32 to vector<16xi32>
    %add3A_13 = arith.addi %iota3A, %add3A_12 : vector<16xi32>
    %swap3A_14 = arith.constant 16 : index
    %swap3A_15 = tpu.vector_load %arg7[%swap3A_14] {strides = array<i32>} : memref<80xi32, #tpu.memory_space<vmem>>, vector<16xi32>,
    tpu.vector_store %arg7[%swap3A_14], %add3A_13 {strides = array<i32>} : memref<80xi32, #tpu.memory_space<vmem>>, vector<16xi32>,
    %add3A_16 = arith.constant 32 : i32
    %add3A_17 = vector.broadcast %add3A_16 : i32 to vector<16xi32>
    %add3A_18 = arith.addi %iota3A, %add3A_17 : vector<16xi32>
    %swap3A_19 = arith.constant 32 : index
    %swap3A_20 = tpu.vector_load %arg7[%swap3A_19] {strides = array<i32>} : memref<80xi32, #tpu.memory_space<vmem>>, vector<16xi32>,
    tpu.vector_store %arg7[%swap3A_19], %add3A_18 {strides = array<i32>} : memref<80xi32, #tpu.memory_space<vmem>>, vector<16xi32>,
    %add3A_21 = arith.constant 48 : i32
    %add3A_22 = vector.broadcast %add3A_21 : i32 to vector<16xi32>
    %add3A_23 = arith.addi %iota3A, %add3A_22 : vector<16xi32>
    %swap3A_24 = arith.constant 48 : index
    %swap3A_25 = tpu.vector_load %arg7[%swap3A_24] {strides = array<i32>} : memref<80xi32, #tpu.memory_space<vmem>>, vector<16xi32>,
    tpu.vector_store %arg7[%swap3A_24], %add3A_23 {strides = array<i32>} : memref<80xi32, #tpu.memory_space<vmem>>, vector<16xi32>,
    %add3A_26 = arith.constant 64 : i32
    %add3A_27 = vector.broadcast %add3A_26 : i32 to vector<16xi32>
    %add3A_28 = arith.addi %iota3A, %add3A_27 : vector<16xi32>
    %swap3A_29 = arith.constant 64 : index
    %swap3A_30 = tpu.vector_load %arg7[%swap3A_29] {strides = array<i32>} : memref<80xi32, #tpu.memory_space<vmem>>, vector<16xi32>,
    tpu.vector_store %arg7[%swap3A_29], %add3A_28 {strides = array<i32>} : memref<80xi32, #tpu.memory_space<vmem>>, vector<16xi32>,
    %lt3A = arith.constant 10 : i32
    %lt3A_31 = arith.cmpi slt, %arg1, %lt3A : i32
    %convert_element_type3A = arith.extui %lt3A_31 : i1 to i32
    %cond3A = arith.constant 0 : i32
    %cond3A_32 = arith.cmpi ne, %convert_element_type3A, %cond3A : i32
    scf.if %cond3A_32 {
      %mul3A = arith.constant 8 : i32
      %mul3A_45 = arith.muli %mul3A, %arg1 : i32
      "tpu.region"() ({
        %run_scoped3A = tpu.sem_alloc : memref<!tpu.dma_semaphore, #tpu.memory_space<semaphore_mem>>
        %dma_start3A = arith.constant 0 : i32
        %dma_start3A_46 = tpu.memref_slice %arg8[%mul3A_45, %dma_start3A] : memref<80x128xf32, #tpu.memory_space<vmem_shared>> -> memref<8x128xf32, #tpu.memory_space<vmem_shared>>
        tpu.enqueue_dma source(%arg3 : memref<8x128xf32, #tpu.memory_space<hbm>>) target(%dma_start3A_46 : memref<8x128xf32, #tpu.memory_space<vmem_shared>>) target_semaphore(%run_scoped3A : memref<!tpu.dma_semaphore, #tpu.memory_space<semaphore_mem>>)
        %dma_wait3A = arith.constant 0 : i32
        %dma_wait3A_47 = tpu.memref_slice %arg8[%mul3A_45, %dma_wait3A] : memref<80x128xf32, #tpu.memory_space<vmem_shared>> -> memref<8x128xf32, #tpu.memory_space<vmem_shared>>
        tpu.wait_dma2 semaphore(%run_scoped3A : memref<!tpu.dma_semaphore, #tpu.memory_space<semaphore_mem>>) src(%arg3 : memref<8x128xf32, #tpu.memory_space<hbm>>) dst(%dma_wait3A_47 : memref<8x128xf32, #tpu.memory_space<vmem_shared>>)
        tpu.yield
      }) : () -> ()
    } else {
    }
    %barrier3A = arith.constant 0 : index
    tpu.barrier barrier_id(%barrier3A)
    "tpu.region"() ({
      %run_scoped3A = tpu.sem_alloc : memref<!tpu.dma_semaphore, #tpu.memory_space<semaphore_mem>>
      %dma_start3A = arith.constant 0 : i32
      %dma_start3A_45 = arith.constant 0 : i32
      %dma_start3A_46 = tpu.memref_slice %arg2[%arg0, %arg1, %dma_start3A, %dma_start3A_45] : memref<2x16x250x80xi32, #tpu.memory_space<hbm>> -> memref<1x1x250x80xi32, #tpu.memory_space<hbm>>
      %dma_start3A_47 = tpu.memref_squeeze %dma_start3A_46 : memref<1x1x250x80xi32, #tpu.memory_space<hbm>> -> memref<250x80xi32, #tpu.memory_space<hbm>>
      %dma_start3A_48 = arith.constant 0 : i32
      %dma_start3A_49 = arith.constant 0 : i32
      %dma_start3A_50 = tpu.memref_slice %arg2[%arg0, %arg1, %dma_start3A_48, %dma_start3A_49] : memref<2x16x250x80xi32, #tpu.memory_space<hbm>> -> memref<1x1x250x80xi32, #tpu.memory_space<hbm>>
      %dma_start3A_51 = tpu.memref_squeeze %dma_start3A_50 : memref<1x1x250x80xi32, #tpu.memory_space<hbm>> -> memref<250x80xi32, #tpu.memory_space<hbm>>
      tpu.enqueue_dma source(%dma_start3A_51 : memref<250x80xi32, #tpu.memory_space<hbm>>) target(%arg5 : memref<250x80xi32, #tpu.memory_space<vmem>>) target_semaphore(%run_scoped3A : memref<!tpu.dma_semaphore, #tpu.memory_space<semaphore_mem>>)
      %dma_wait3A = arith.constant 0 : i32
      %dma_wait3A_52 = arith.constant 0 : i32
      %dma_wait3A_53 = tpu.memref_slice %arg2[%arg0, %arg1, %dma_wait3A, %dma_wait3A_52] : memref<2x16x250x80xi32, #tpu.memory_space<hbm>> -> memref<1x1x250x80xi32, #tpu.memory_space<hbm>>
      %dma_wait3A_54 = tpu.memref_squeeze %dma_wait3A_53 : memref<1x1x250x80xi32, #tpu.memory_space<hbm>> -> memref<250x80xi32, #tpu.memory_space<hbm>>
      %dma_wait3A_55 = arith.constant 0 : i32
      %dma_wait3A_56 = arith.constant 0 : i32
      %dma_wait3A_57 = tpu.memref_slice %arg2[%arg0, %arg1, %dma_wait3A_55, %dma_wait3A_56] : memref<2x16x250x80xi32, #tpu.memory_space<hbm>> -> memref<1x1x250x80xi32, #tpu.memory_space<hbm>>
      %dma_wait3A_58 = tpu.memref_squeeze %dma_wait3A_57 : memref<1x1x250x80xi32, #tpu.memory_space<hbm>> -> memref<250x80xi32, #tpu.memory_space<hbm>>
      tpu.wait_dma2 semaphore(%run_scoped3A : memref<!tpu.dma_semaphore, #tpu.memory_space<semaphore_mem>>) src(%dma_wait3A_58 : memref<250x80xi32, #tpu.memory_space<hbm>>) dst(%arg5 : memref<250x80xi32, #tpu.memory_space<vmem>>)
      tpu.yield
    }) : () -> ()
    %scan3A_33 = arith.constant 0 : i32
    %scan3A_34 = arith.constant 0 : i32
    %scan3A_35 = arith.constant 250 : i32
    %scan3A_36 = arith.addi %scan3A_34, %scan3A_35 : i32
    %scan3A_37 = arith.constant 1 : i32
    scf.for %scan3A_45 = %scan3A_34 to %scan3A_36 step %scan3A_37  : i32 {
      %get3A = arith.index_cast %scan3A_45 : i32 to index
      %get3A_46 = arith.constant 0 : index
      %get3A_47 = tpu.vector_load %arg5[%get3A, %get3A_46] {strides = array<i32>} : memref<250x80xi32, #tpu.memory_space<vmem>>, vector<16xi32>,
      %shift_right_logical3A = arith.constant 7 : i32
      %shift_right_logical3A_48 = vector.broadcast %shift_right_logical3A : i32 to vector<16xi32>
      %shift_right_logical3A_49 = arith.shrui %get3A_47, %shift_right_logical3A_48 : vector<16xi32>
      %and3A = arith.constant 127 : i32
      %and3A_50 = vector.broadcast %and3A : i32 to vector<16xi32>
      %and3A_51 = arith.andi %get3A_47, %and3A_50 : vector<16xi32>
      tpu.vector_store_idx %arg6[%shift_right_logical3A_49, %and3A_51], %broadcast_in_dim3A_2 {add = true} : memref<80x128xf32, #tpu.memory_space<vmem>>[vector<16xi32>, vector<16xi32>], vector<16xf32>,
      %get3A_52 = arith.index_cast %scan3A_45 : i32 to index
      %get3A_53 = arith.constant 16 : index
      %get3A_54 = tpu.vector_load %arg5[%get3A_52, %get3A_53] {strides = array<i32>} : memref<250x80xi32, #tpu.memory_space<vmem>>, vector<16xi32>,
      %shift_right_logical3A_55 = arith.constant 7 : i32
      %shift_right_logical3A_56 = vector.broadcast %shift_right_logical3A_55 : i32 to vector<16xi32>
      %shift_right_logical3A_57 = arith.shrui %get3A_54, %shift_right_logical3A_56 : vector<16xi32>
      %and3A_58 = arith.constant 127 : i32
      %and3A_59 = vector.broadcast %and3A_58 : i32 to vector<16xi32>
      %and3A_60 = arith.andi %get3A_54, %and3A_59 : vector<16xi32>
      tpu.vector_store_idx %arg6[%shift_right_logical3A_57, %and3A_60], %broadcast_in_dim3A_2 {add = true} : memref<80x128xf32, #tpu.memory_space<vmem>>[vector<16xi32>, vector<16xi32>], vector<16xf32>,
      %get3A_61 = arith.index_cast %scan3A_45 : i32 to index
      %get3A_62 = arith.constant 32 : index
      %get3A_63 = tpu.vector_load %arg5[%get3A_61, %get3A_62] {strides = array<i32>} : memref<250x80xi32, #tpu.memory_space<vmem>>, vector<16xi32>,
      %shift_right_logical3A_64 = arith.constant 7 : i32
      %shift_right_logical3A_65 = vector.broadcast %shift_right_logical3A_64 : i32 to vector<16xi32>
      %shift_right_logical3A_66 = arith.shrui %get3A_63, %shift_right_logical3A_65 : vector<16xi32>
      %and3A_67 = arith.constant 127 : i32
      %and3A_68 = vector.broadcast %and3A_67 : i32 to vector<16xi32>
      %and3A_69 = arith.andi %get3A_63, %and3A_68 : vector<16xi32>
      tpu.vector_store_idx %arg6[%shift_right_logical3A_66, %and3A_69], %broadcast_in_dim3A_2 {add = true} : memref<80x128xf32, #tpu.memory_space<vmem>>[vector<16xi32>, vector<16xi32>], vector<16xf32>,
      %get3A_70 = arith.index_cast %scan3A_45 : i32 to index
      %get3A_71 = arith.constant 48 : index
      %get3A_72 = tpu.vector_load %arg5[%get3A_70, %get3A_71] {strides = array<i32>} : memref<250x80xi32, #tpu.memory_space<vmem>>, vector<16xi32>,
      %shift_right_logical3A_73 = arith.constant 7 : i32
      %shift_right_logical3A_74 = vector.broadcast %shift_right_logical3A_73 : i32 to vector<16xi32>
      %shift_right_logical3A_75 = arith.shrui %get3A_72, %shift_right_logical3A_74 : vector<16xi32>
      %and3A_76 = arith.constant 127 : i32
      %and3A_77 = vector.broadcast %and3A_76 : i32 to vector<16xi32>
      %and3A_78 = arith.andi %get3A_72, %and3A_77 : vector<16xi32>
      tpu.vector_store_idx %arg6[%shift_right_logical3A_75, %and3A_78], %broadcast_in_dim3A_2 {add = true} : memref<80x128xf32, #tpu.memory_space<vmem>>[vector<16xi32>, vector<16xi32>], vector<16xf32>,
      %get3A_79 = arith.index_cast %scan3A_45 : i32 to index
      %get3A_80 = arith.constant 64 : index
      %get3A_81 = tpu.vector_load %arg5[%get3A_79, %get3A_80] {strides = array<i32>} : memref<250x80xi32, #tpu.memory_space<vmem>>, vector<16xi32>,
      %shift_right_logical3A_82 = arith.constant 7 : i32
      %shift_right_logical3A_83 = vector.broadcast %shift_right_logical3A_82 : i32 to vector<16xi32>
      %shift_right_logical3A_84 = arith.shrui %get3A_81, %shift_right_logical3A_83 : vector<16xi32>
      %and3A_85 = arith.constant 127 : i32
      %and3A_86 = vector.broadcast %and3A_85 : i32 to vector<16xi32>
      %and3A_87 = arith.andi %get3A_81, %and3A_86 : vector<16xi32>
      tpu.vector_store_idx %arg6[%shift_right_logical3A_84, %and3A_87], %broadcast_in_dim3A_2 {add = true} : memref<80x128xf32, #tpu.memory_space<vmem>>[vector<16xi32>, vector<16xi32>], vector<16xf32>,
    }
    %scan3A_38 = arith.constant 250 : i32
    "tpu.region"() ({
      %run_scoped3A = tpu.sem_alloc : memref<!tpu.dma_semaphore, #tpu.memory_space<semaphore_mem>>
      %dma_start3A = arith.constant 0 : i32
      %dma_start3A_45 = arith.constant 0 : i32
      %dma_start3A_46 = tpu.memref_slice %arg8[%dma_start3A, %dma_start3A_45] : memref<80x128xf32, #tpu.memory_space<vmem_shared>> -> memref<80x128xf32, #tpu.memory_space<vmem_shared>>
      tpu.enqueue_indirect_dma source(%arg6 : memref<80x128xf32, #tpu.memory_space<vmem>>) target(%dma_start3A_46 : memref<80x128xf32, #tpu.memory_space<vmem_shared>>) offsets(%arg7 : memref<80xi32, #tpu.memory_space<vmem>>) semaphore(%run_scoped3A : memref<!tpu.dma_semaphore, #tpu.memory_space<semaphore_mem>>) {add = true}
      %dma_wait3A = arith.constant 0 : i32
      %dma_wait3A_47 = arith.constant 0 : i32
      %dma_wait3A_48 = tpu.memref_slice %arg8[%dma_wait3A, %dma_wait3A_47] : memref<80x128xf32, #tpu.memory_space<vmem_shared>> -> memref<80x128xf32, #tpu.memory_space<vmem_shared>>
      tpu.wait_indirect_dma semaphore(%run_scoped3A : memref<!tpu.dma_semaphore, #tpu.memory_space<semaphore_mem>>) src(%arg6 : memref<80x128xf32, #tpu.memory_space<vmem>>) dst(%dma_wait3A_48 : memref<80x128xf32, #tpu.memory_space<vmem_shared>>)
      tpu.yield
    }) : () -> ()
    %barrier3A_39 = arith.constant 0 : index
    tpu.barrier barrier_id(%barrier3A_39)
    %lt3A_40 = arith.constant 10 : i32
    %lt3A_41 = arith.cmpi slt, %arg1, %lt3A_40 : i32
    %convert_element_type3A_42 = arith.extui %lt3A_41 : i1 to i32
    %cond3A_43 = arith.constant 0 : i32
    %cond3A_44 = arith.cmpi ne, %convert_element_type3A_42, %cond3A_43 : i32
    scf.if %cond3A_44 {
      %mul3A = arith.constant 8 : i32
      %mul3A_45 = arith.muli %mul3A, %arg1 : i32
      %mul3A_46 = arith.constant 8 : i32
      %mul3A_47 = arith.muli %mul3A_46, %arg1 : i32
      "tpu.region"() ({
        %run_scoped3A = tpu.sem_alloc : memref<!tpu.dma_semaphore, #tpu.memory_space<semaphore_mem>>
        %dma_start3A = arith.constant 0 : i32
        %dma_start3A_48 = tpu.memref_slice %arg4[%arg0, %mul3A_47, %dma_start3A] : memref<2x80x128xf32, #tpu.memory_space<hbm>> -> memref<1x8x128xf32, #tpu.memory_space<hbm>>
        %dma_start3A_49 = tpu.memref_squeeze %dma_start3A_48 : memref<1x8x128xf32, #tpu.memory_space<hbm>> -> memref<8x128xf32, #tpu.memory_space<hbm>>
        %dma_start3A_50 = arith.constant 0 : i32
        %dma_start3A_51 = tpu.memref_slice %arg8[%mul3A_45, %dma_start3A_50] : memref<80x128xf32, #tpu.memory_space<vmem_shared>> -> memref<8x128xf32, #tpu.memory_space<vmem_shared>>
        tpu.enqueue_dma source(%dma_start3A_51 : memref<8x128xf32, #tpu.memory_space<vmem_shared>>) target(%dma_start3A_49 : memref<8x128xf32, #tpu.memory_space<hbm>>) target_semaphore(%run_scoped3A : memref<!tpu.dma_semaphore, #tpu.memory_space<semaphore_mem>>)
        %dma_wait3A = arith.constant 0 : i32
        %dma_wait3A_52 = tpu.memref_slice %arg4[%arg0, %mul3A_47, %dma_wait3A] : memref<2x80x128xf32, #tpu.memory_space<hbm>> -> memref<1x8x128xf32, #tpu.memory_space<hbm>>
        %dma_wait3A_53 = tpu.memref_squeeze %dma_wait3A_52 : memref<1x8x128xf32, #tpu.memory_space<hbm>> -> memref<8x128xf32, #tpu.memory_space<hbm>>
        %dma_wait3A_54 = arith.constant 0 : i32
        %dma_wait3A_55 = tpu.memref_slice %arg8[%mul3A_45, %dma_wait3A_54] : memref<80x128xf32, #tpu.memory_space<vmem_shared>> -> memref<8x128xf32, #tpu.memory_space<vmem_shared>>
        tpu.wait_dma2 semaphore(%run_scoped3A : memref<!tpu.dma_semaphore, #tpu.memory_space<semaphore_mem>>) src(%dma_wait3A_55 : memref<8x128xf32, #tpu.memory_space<vmem_shared>>) dst(%dma_wait3A_53 : memref<8x128xf32, #tpu.memory_space<hbm>>)
        tpu.yield
      }) : () -> ()
    } else {
    }
    return
  }
}

#map = affine_map<(d0, d1) -> (0, 0)>
#map1 = affine_map<(d0, d1) -> (0, 0, 0)>
module attributes {stable_mosaic.version = 14 : i64} {
  func.func @_sc_msgpass_body(%arg0: i32, %arg1: i32, %arg2: memref<10000x128xf32, #tpu.memory_space<hbm>>, %arg3: memref<32x125x80xi32, #tpu.memory_space<hbm>>, %arg4: memref<32x125x80xi32, #tpu.memory_space<hbm>>, %arg5: memref<640x128xf32, #tpu.memory_space<hbm>>, %arg6: memref<2x10240x128xf32, #tpu.memory_space<hbm>>, %arg7: memref<125x80xi32, #tpu.memory_space<vmem>>, %arg8: memref<80xi32, #tpu.memory_space<vmem>>, %arg9: memref<80xi32, #tpu.memory_space<vmem>>, %arg10: memref<80x128xf32, #tpu.memory_space<vmem>>, %arg11: memref<80x128xf32, #tpu.memory_space<vmem>>, %arg12: memref<10240x128xf32, #tpu.memory_space<vmem_shared>>, %arg13: memref<!tpu.dma_semaphore, #tpu.memory_space<semaphore_mem>>, %arg14: memref<!tpu.dma_semaphore, #tpu.memory_space<semaphore_mem>>, %arg15: memref<!tpu.dma_semaphore, #tpu.memory_space<semaphore_mem>>, %arg16: memref<!tpu.dma_semaphore, #tpu.memory_space<semaphore_mem>>, %arg17: memref<!tpu.dma_semaphore, #tpu.memory_space<semaphore_mem>>) attributes {dimension_semantics = [#tpu.dimension_semantics<core_parallel>, #tpu.dimension_semantics<subcore_parallel>], iteration_bounds = array<i64: 2, 16>, scalar_prefetch = 0 : i64, scratch_operands = 11 : i64, tpu.core_type = #tpu.core_type<sc_vector_subcore>, window_params = [{transform_indices = #map}, {transform_indices = #map1}, {transform_indices = #map1}, {transform_indices = #map}, {transform_indices = #map1}]} {
    %mul3A = arith.constant 16 : i32
    %mul3A_0 = arith.muli %arg0, %mul3A : i32
    %add3A = arith.addi %mul3A_0, %arg1 : i32
    %dma_start3A = arith.constant 0 : i32
    %dma_start3A_1 = arith.constant 0 : i32
    %dma_start3A_2 = tpu.memref_slice %arg3[%add3A, %dma_start3A, %dma_start3A_1] : memref<32x125x80xi32, #tpu.memory_space<hbm>> -> memref<1x125x80xi32, #tpu.memory_space<hbm>>
    %dma_start3A_3 = tpu.memref_squeeze %dma_start3A_2 : memref<1x125x80xi32, #tpu.memory_space<hbm>> -> memref<125x80xi32, #tpu.memory_space<hbm>>
    %dma_start3A_4 = arith.constant 0 : i32
    %dma_start3A_5 = arith.constant 0 : i32
    %dma_start3A_6 = tpu.memref_slice %arg3[%add3A, %dma_start3A_4, %dma_start3A_5] : memref<32x125x80xi32, #tpu.memory_space<hbm>> -> memref<1x125x80xi32, #tpu.memory_space<hbm>>
    %dma_start3A_7 = tpu.memref_squeeze %dma_start3A_6 : memref<1x125x80xi32, #tpu.memory_space<hbm>> -> memref<125x80xi32, #tpu.memory_space<hbm>>
    tpu.enqueue_dma source(%dma_start3A_7 : memref<125x80xi32, #tpu.memory_space<hbm>>) target(%arg7 : memref<125x80xi32, #tpu.memory_space<vmem>>) target_semaphore(%arg17 : memref<!tpu.dma_semaphore, #tpu.memory_space<semaphore_mem>>)
    %mul3A_8 = arith.constant 640 : i32
    %mul3A_9 = arith.muli %arg1, %mul3A_8 : i32
    "tpu.region"() ({
      %run_scoped3A = tpu.sem_alloc : memref<!tpu.dma_semaphore, #tpu.memory_space<semaphore_mem>>
      %dma_start3A_55 = arith.constant 0 : i32
      %dma_start3A_56 = tpu.memref_slice %arg12[%mul3A_9, %dma_start3A_55] : memref<10240x128xf32, #tpu.memory_space<vmem_shared>> -> memref<640x128xf32, #tpu.memory_space<vmem_shared>>
      tpu.enqueue_dma source(%arg5 : memref<640x128xf32, #tpu.memory_space<hbm>>) target(%dma_start3A_56 : memref<640x128xf32, #tpu.memory_space<vmem_shared>>) target_semaphore(%run_scoped3A : memref<!tpu.dma_semaphore, #tpu.memory_space<semaphore_mem>>)
      %dma_wait3A_57 = arith.constant 0 : i32
      %dma_wait3A_58 = tpu.memref_slice %arg12[%mul3A_9, %dma_wait3A_57] : memref<10240x128xf32, #tpu.memory_space<vmem_shared>> -> memref<640x128xf32, #tpu.memory_space<vmem_shared>>
      tpu.wait_dma2 semaphore(%run_scoped3A : memref<!tpu.dma_semaphore, #tpu.memory_space<semaphore_mem>>) src(%arg5 : memref<640x128xf32, #tpu.memory_space<hbm>>) dst(%dma_wait3A_58 : memref<640x128xf32, #tpu.memory_space<vmem_shared>>)
      tpu.yield
    }) : () -> ()
    %dma_wait3A = arith.constant 0 : i32
    %dma_wait3A_10 = arith.constant 0 : i32
    %dma_wait3A_11 = tpu.memref_slice %arg3[%add3A, %dma_wait3A, %dma_wait3A_10] : memref<32x125x80xi32, #tpu.memory_space<hbm>> -> memref<1x125x80xi32, #tpu.memory_space<hbm>>
    %dma_wait3A_12 = tpu.memref_squeeze %dma_wait3A_11 : memref<1x125x80xi32, #tpu.memory_space<hbm>> -> memref<125x80xi32, #tpu.memory_space<hbm>>
    %dma_wait3A_13 = arith.constant 0 : i32
    %dma_wait3A_14 = arith.constant 0 : i32
    %dma_wait3A_15 = tpu.memref_slice %arg3[%add3A, %dma_wait3A_13, %dma_wait3A_14] : memref<32x125x80xi32, #tpu.memory_space<hbm>> -> memref<1x125x80xi32, #tpu.memory_space<hbm>>
    %dma_wait3A_16 = tpu.memref_squeeze %dma_wait3A_15 : memref<1x125x80xi32, #tpu.memory_space<hbm>> -> memref<125x80xi32, #tpu.memory_space<hbm>>
    tpu.wait_dma2 semaphore(%arg17 : memref<!tpu.dma_semaphore, #tpu.memory_space<semaphore_mem>>) src(%dma_wait3A_16 : memref<125x80xi32, #tpu.memory_space<hbm>>) dst(%arg7 : memref<125x80xi32, #tpu.memory_space<vmem>>)
    %barrier3A = arith.constant 0 : index
    tpu.barrier barrier_id(%barrier3A)
    %dma_start3A_17 = arith.constant 0 : i32
    %dma_start3A_18 = arith.constant 0 : i32
    %dma_start3A_19 = tpu.memref_slice %arg7[%dma_start3A_17, %dma_start3A_18] : memref<125x80xi32, #tpu.memory_space<vmem>> -> memref<1x80xi32, #tpu.memory_space<vmem>>
    %dma_start3A_20 = tpu.memref_squeeze %dma_start3A_19 : memref<1x80xi32, #tpu.memory_space<vmem>> -> memref<80xi32, #tpu.memory_space<vmem>>
    %dma_start3A_21 = arith.constant 0 : i32
    %dma_start3A_22 = arith.constant 0 : i32
    %dma_start3A_23 = tpu.memref_slice %arg2[%dma_start3A_21, %dma_start3A_22] : memref<10000x128xf32, #tpu.memory_space<hbm>> -> memref<10000x128xf32, #tpu.memory_space<hbm>>
    tpu.enqueue_indirect_dma source(%dma_start3A_23 : memref<10000x128xf32, #tpu.memory_space<hbm>>) target(%arg10 : memref<80x128xf32, #tpu.memory_space<vmem>>) offsets(%dma_start3A_20 : memref<80xi32, #tpu.memory_space<vmem>>) semaphore(%arg13 : memref<!tpu.dma_semaphore, #tpu.memory_space<semaphore_mem>>)
    %dma_start3A_24 = arith.constant 0 : i32
    %dma_start3A_25 = arith.constant 0 : i32
    %dma_start3A_26 = tpu.memref_slice %arg4[%add3A, %dma_start3A_24, %dma_start3A_25] : memref<32x125x80xi32, #tpu.memory_space<hbm>> -> memref<1x1x80xi32, #tpu.memory_space<hbm>>
    %dma_start3A_27 = tpu.memref_squeeze %dma_start3A_26 : memref<1x1x80xi32, #tpu.memory_space<hbm>> -> memref<80xi32, #tpu.memory_space<hbm>>
    %dma_start3A_28 = arith.constant 0 : i32
    %dma_start3A_29 = tpu.memref_slice %arg4[%add3A, %dma_start3A_24, %dma_start3A_28] : memref<32x125x80xi32, #tpu.memory_space<hbm>> -> memref<1x1x80xi32, #tpu.memory_space<hbm>>
    %dma_start3A_30 = tpu.memref_squeeze %dma_start3A_29 : memref<1x1x80xi32, #tpu.memory_space<hbm>> -> memref<80xi32, #tpu.memory_space<hbm>>
    tpu.enqueue_dma source(%dma_start3A_30 : memref<80xi32, #tpu.memory_space<hbm>>) target(%arg8 : memref<80xi32, #tpu.memory_space<vmem>>) target_semaphore(%arg15 : memref<!tpu.dma_semaphore, #tpu.memory_space<semaphore_mem>>)
    %scan3A = arith.constant 0 : i32
    %scan3A_31 = arith.constant 0 : i32
    %scan3A_32 = arith.constant 62 : i32
    %scan3A_33 = arith.addi %scan3A_31, %scan3A_32 : i32
    %scan3A_34 = arith.constant 1 : i32
    scf.for %scan3A_55 = %scan3A_31 to %scan3A_33 step %scan3A_34  : i32 {
      %mul3A_56 = arith.constant 2 : i32
      %mul3A_57 = arith.muli %mul3A_56, %scan3A_55 : i32
      %add3A_58 = arith.constant 1 : i32
      %add3A_59 = arith.addi %mul3A_57, %add3A_58 : i32
      %dma_start3A_60 = arith.constant 0 : i32
      %dma_start3A_61 = tpu.memref_slice %arg7[%add3A_59, %dma_start3A_60] : memref<125x80xi32, #tpu.memory_space<vmem>> -> memref<1x80xi32, #tpu.memory_space<vmem>>
      %dma_start3A_62 = tpu.memref_squeeze %dma_start3A_61 : memref<1x80xi32, #tpu.memory_space<vmem>> -> memref<80xi32, #tpu.memory_space<vmem>>
      %dma_start3A_63 = arith.constant 0 : i32
      %dma_start3A_64 = arith.constant 0 : i32
      %dma_start3A_65 = tpu.memref_slice %arg2[%dma_start3A_63, %dma_start3A_64] : memref<10000x128xf32, #tpu.memory_space<hbm>> -> memref<10000x128xf32, #tpu.memory_space<hbm>>
      tpu.enqueue_indirect_dma source(%dma_start3A_65 : memref<10000x128xf32, #tpu.memory_space<hbm>>) target(%arg11 : memref<80x128xf32, #tpu.memory_space<vmem>>) offsets(%dma_start3A_62 : memref<80xi32, #tpu.memory_space<vmem>>) semaphore(%arg14 : memref<!tpu.dma_semaphore, #tpu.memory_space<semaphore_mem>>)
      %add3A_66 = arith.constant 1 : i32
      %add3A_67 = arith.addi %mul3A_57, %add3A_66 : i32
      %dma_start3A_68 = arith.constant 0 : i32
      %dma_start3A_69 = tpu.memref_slice %arg4[%add3A, %add3A_67, %dma_start3A_68] : memref<32x125x80xi32, #tpu.memory_space<hbm>> -> memref<1x1x80xi32, #tpu.memory_space<hbm>>
      %dma_start3A_70 = tpu.memref_squeeze %dma_start3A_69 : memref<1x1x80xi32, #tpu.memory_space<hbm>> -> memref<80xi32, #tpu.memory_space<hbm>>
      %dma_start3A_71 = arith.constant 0 : i32
      %dma_start3A_72 = tpu.memref_slice %arg4[%add3A, %add3A_67, %dma_start3A_71] : memref<32x125x80xi32, #tpu.memory_space<hbm>> -> memref<1x1x80xi32, #tpu.memory_space<hbm>>
      %dma_start3A_73 = tpu.memref_squeeze %dma_start3A_72 : memref<1x1x80xi32, #tpu.memory_space<hbm>> -> memref<80xi32, #tpu.memory_space<hbm>>
      tpu.enqueue_dma source(%dma_start3A_73 : memref<80xi32, #tpu.memory_space<hbm>>) target(%arg9 : memref<80xi32, #tpu.memory_space<vmem>>) target_semaphore(%arg16 : memref<!tpu.dma_semaphore, #tpu.memory_space<semaphore_mem>>)
      %dma_wait3A_74 = arith.constant 0 : i32
      %dma_wait3A_75 = arith.constant 0 : i32
      %dma_wait3A_76 = tpu.memref_slice %arg7[%dma_wait3A_74, %dma_wait3A_75] : memref<125x80xi32, #tpu.memory_space<vmem>> -> memref<1x80xi32, #tpu.memory_space<vmem>>
      %dma_wait3A_77 = tpu.memref_squeeze %dma_wait3A_76 : memref<1x80xi32, #tpu.memory_space<vmem>> -> memref<80xi32, #tpu.memory_space<vmem>>
      %dma_wait3A_78 = arith.constant 0 : i32
      %dma_wait3A_79 = arith.constant 0 : i32
      %dma_wait3A_80 = tpu.memref_slice %arg2[%dma_wait3A_78, %dma_wait3A_79] : memref<10000x128xf32, #tpu.memory_space<hbm>> -> memref<10000x128xf32, #tpu.memory_space<hbm>>
      tpu.wait_indirect_dma semaphore(%arg13 : memref<!tpu.dma_semaphore, #tpu.memory_space<semaphore_mem>>) src(%dma_wait3A_80 : memref<10000x128xf32, #tpu.memory_space<hbm>>) dst(%arg10 : memref<80x128xf32, #tpu.memory_space<vmem>>)
      %dma_wait3A_81 = arith.constant 0 : i32
      %dma_wait3A_82 = arith.constant 0 : i32
      %dma_wait3A_83 = tpu.memref_slice %arg4[%add3A, %dma_wait3A_81, %dma_wait3A_82] : memref<32x125x80xi32, #tpu.memory_space<hbm>> -> memref<1x1x80xi32, #tpu.memory_space<hbm>>
      %dma_wait3A_84 = tpu.memref_squeeze %dma_wait3A_83 : memref<1x1x80xi32, #tpu.memory_space<hbm>> -> memref<80xi32, #tpu.memory_space<hbm>>
      %dma_wait3A_85 = arith.constant 0 : i32
      %dma_wait3A_86 = tpu.memref_slice %arg4[%add3A, %dma_wait3A_81, %dma_wait3A_85] : memref<32x125x80xi32, #tpu.memory_space<hbm>> -> memref<1x1x80xi32, #tpu.memory_space<hbm>>
      %dma_wait3A_87 = tpu.memref_squeeze %dma_wait3A_86 : memref<1x1x80xi32, #tpu.memory_space<hbm>> -> memref<80xi32, #tpu.memory_space<hbm>>
      tpu.wait_dma2 semaphore(%arg15 : memref<!tpu.dma_semaphore, #tpu.memory_space<semaphore_mem>>) src(%dma_wait3A_87 : memref<80xi32, #tpu.memory_space<hbm>>) dst(%arg8 : memref<80xi32, #tpu.memory_space<vmem>>)
      "tpu.region"() ({
        %run_scoped3A = tpu.sem_alloc : memref<!tpu.dma_semaphore, #tpu.memory_space<semaphore_mem>>
        %dma_start3A_118 = arith.constant 0 : i32
        %dma_start3A_119 = arith.constant 0 : i32
        %dma_start3A_120 = tpu.memref_slice %arg12[%dma_start3A_118, %dma_start3A_119] : memref<10240x128xf32, #tpu.memory_space<vmem_shared>> -> memref<10240x128xf32, #tpu.memory_space<vmem_shared>>
        tpu.enqueue_indirect_dma source(%arg10 : memref<80x128xf32, #tpu.memory_space<vmem>>) target(%dma_start3A_120 : memref<10240x128xf32, #tpu.memory_space<vmem_shared>>) offsets(%arg8 : memref<80xi32, #tpu.memory_space<vmem>>) semaphore(%run_scoped3A : memref<!tpu.dma_semaphore, #tpu.memory_space<semaphore_mem>>) {add = true}
        %dma_wait3A_121 = arith.constant 0 : i32
        %dma_wait3A_122 = arith.constant 0 : i32
        %dma_wait3A_123 = tpu.memref_slice %arg12[%dma_wait3A_121, %dma_wait3A_122] : memref<10240x128xf32, #tpu.memory_space<vmem_shared>> -> memref<10240x128xf32, #tpu.memory_space<vmem_shared>>
        tpu.wait_indirect_dma semaphore(%run_scoped3A : memref<!tpu.dma_semaphore, #tpu.memory_space<semaphore_mem>>) src(%arg10 : memref<80x128xf32, #tpu.memory_space<vmem>>) dst(%dma_wait3A_123 : memref<10240x128xf32, #tpu.memory_space<vmem_shared>>)
        tpu.yield
      }) : () -> ()
      %add3A_88 = arith.constant 2 : i32
      %add3A_89 = arith.addi %mul3A_57, %add3A_88 : i32
      %dma_start3A_90 = arith.constant 0 : i32
      %dma_start3A_91 = tpu.memref_slice %arg7[%add3A_89, %dma_start3A_90] : memref<125x80xi32, #tpu.memory_space<vmem>> -> memref<1x80xi32, #tpu.memory_space<vmem>>
      %dma_start3A_92 = tpu.memref_squeeze %dma_start3A_91 : memref<1x80xi32, #tpu.memory_space<vmem>> -> memref<80xi32, #tpu.memory_space<vmem>>
      %dma_start3A_93 = arith.constant 0 : i32
      %dma_start3A_94 = arith.constant 0 : i32
      %dma_start3A_95 = tpu.memref_slice %arg2[%dma_start3A_93, %dma_start3A_94] : memref<10000x128xf32, #tpu.memory_space<hbm>> -> memref<10000x128xf32, #tpu.memory_space<hbm>>
      tpu.enqueue_indirect_dma source(%dma_start3A_95 : memref<10000x128xf32, #tpu.memory_space<hbm>>) target(%arg10 : memref<80x128xf32, #tpu.memory_space<vmem>>) offsets(%dma_start3A_92 : memref<80xi32, #tpu.memory_space<vmem>>) semaphore(%arg13 : memref<!tpu.dma_semaphore, #tpu.memory_space<semaphore_mem>>)
      %add3A_96 = arith.constant 2 : i32
      %add3A_97 = arith.addi %mul3A_57, %add3A_96 : i32
      %dma_start3A_98 = arith.constant 0 : i32
      %dma_start3A_99 = tpu.memref_slice %arg4[%add3A, %add3A_97, %dma_start3A_98] : memref<32x125x80xi32, #tpu.memory_space<hbm>> -> memref<1x1x80xi32, #tpu.memory_space<hbm>>
      %dma_start3A_100 = tpu.memref_squeeze %dma_start3A_99 : memref<1x1x80xi32, #tpu.memory_space<hbm>> -> memref<80xi32, #tpu.memory_space<hbm>>
      %dma_start3A_101 = arith.constant 0 : i32
      %dma_start3A_102 = tpu.memref_slice %arg4[%add3A, %add3A_97, %dma_start3A_101] : memref<32x125x80xi32, #tpu.memory_space<hbm>> -> memref<1x1x80xi32, #tpu.memory_space<hbm>>
      %dma_start3A_103 = tpu.memref_squeeze %dma_start3A_102 : memref<1x1x80xi32, #tpu.memory_space<hbm>> -> memref<80xi32, #tpu.memory_space<hbm>>
      tpu.enqueue_dma source(%dma_start3A_103 : memref<80xi32, #tpu.memory_space<hbm>>) target(%arg8 : memref<80xi32, #tpu.memory_space<vmem>>) target_semaphore(%arg15 : memref<!tpu.dma_semaphore, #tpu.memory_space<semaphore_mem>>)
      %dma_wait3A_104 = arith.constant 0 : i32
      %dma_wait3A_105 = arith.constant 0 : i32
      %dma_wait3A_106 = tpu.memref_slice %arg7[%dma_wait3A_104, %dma_wait3A_105] : memref<125x80xi32, #tpu.memory_space<vmem>> -> memref<1x80xi32, #tpu.memory_space<vmem>>
      %dma_wait3A_107 = tpu.memref_squeeze %dma_wait3A_106 : memref<1x80xi32, #tpu.memory_space<vmem>> -> memref<80xi32, #tpu.memory_space<vmem>>
      %dma_wait3A_108 = arith.constant 0 : i32
      %dma_wait3A_109 = arith.constant 0 : i32
      %dma_wait3A_110 = tpu.memref_slice %arg2[%dma_wait3A_108, %dma_wait3A_109] : memref<10000x128xf32, #tpu.memory_space<hbm>> -> memref<10000x128xf32, #tpu.memory_space<hbm>>
      tpu.wait_indirect_dma semaphore(%arg14 : memref<!tpu.dma_semaphore, #tpu.memory_space<semaphore_mem>>) src(%dma_wait3A_110 : memref<10000x128xf32, #tpu.memory_space<hbm>>) dst(%arg11 : memref<80x128xf32, #tpu.memory_space<vmem>>)
      %dma_wait3A_111 = arith.constant 0 : i32
      %dma_wait3A_112 = arith.constant 0 : i32
      %dma_wait3A_113 = tpu.memref_slice %arg4[%add3A, %dma_wait3A_111, %dma_wait3A_112] : memref<32x125x80xi32, #tpu.memory_space<hbm>> -> memref<1x1x80xi32, #tpu.memory_space<hbm>>
      %dma_wait3A_114 = tpu.memref_squeeze %dma_wait3A_113 : memref<1x1x80xi32, #tpu.memory_space<hbm>> -> memref<80xi32, #tpu.memory_space<hbm>>
      %dma_wait3A_115 = arith.constant 0 : i32
      %dma_wait3A_116 = tpu.memref_slice %arg4[%add3A, %dma_wait3A_111, %dma_wait3A_115] : memref<32x125x80xi32, #tpu.memory_space<hbm>> -> memref<1x1x80xi32, #tpu.memory_space<hbm>>
      %dma_wait3A_117 = tpu.memref_squeeze %dma_wait3A_116 : memref<1x1x80xi32, #tpu.memory_space<hbm>> -> memref<80xi32, #tpu.memory_space<hbm>>
      tpu.wait_dma2 semaphore(%arg16 : memref<!tpu.dma_semaphore, #tpu.memory_space<semaphore_mem>>) src(%dma_wait3A_117 : memref<80xi32, #tpu.memory_space<hbm>>) dst(%arg9 : memref<80xi32, #tpu.memory_space<vmem>>)
      "tpu.region"() ({
        %run_scoped3A = tpu.sem_alloc : memref<!tpu.dma_semaphore, #tpu.memory_space<semaphore_mem>>
        %dma_start3A_118 = arith.constant 0 : i32
        %dma_start3A_119 = arith.constant 0 : i32
        %dma_start3A_120 = tpu.memref_slice %arg12[%dma_start3A_118, %dma_start3A_119] : memref<10240x128xf32, #tpu.memory_space<vmem_shared>> -> memref<10240x128xf32, #tpu.memory_space<vmem_shared>>
        tpu.enqueue_indirect_dma source(%arg11 : memref<80x128xf32, #tpu.memory_space<vmem>>) target(%dma_start3A_120 : memref<10240x128xf32, #tpu.memory_space<vmem_shared>>) offsets(%arg9 : memref<80xi32, #tpu.memory_space<vmem>>) semaphore(%run_scoped3A : memref<!tpu.dma_semaphore, #tpu.memory_space<semaphore_mem>>) {add = true}
        %dma_wait3A_121 = arith.constant 0 : i32
        %dma_wait3A_122 = arith.constant 0 : i32
        %dma_wait3A_123 = tpu.memref_slice %arg12[%dma_wait3A_121, %dma_wait3A_122] : memref<10240x128xf32, #tpu.memory_space<vmem_shared>> -> memref<10240x128xf32, #tpu.memory_space<vmem_shared>>
        tpu.wait_indirect_dma semaphore(%run_scoped3A : memref<!tpu.dma_semaphore, #tpu.memory_space<semaphore_mem>>) src(%arg11 : memref<80x128xf32, #tpu.memory_space<vmem>>) dst(%dma_wait3A_123 : memref<10240x128xf32, #tpu.memory_space<vmem_shared>>)
        tpu.yield
      }) : () -> ()
    }
    %scan3A_35 = arith.constant 62 : i32
    %dma_wait3A_36 = arith.constant 0 : i32
    %dma_wait3A_37 = arith.constant 0 : i32
    %dma_wait3A_38 = tpu.memref_slice %arg7[%dma_wait3A_36, %dma_wait3A_37] : memref<125x80xi32, #tpu.memory_space<vmem>> -> memref<1x80xi32, #tpu.memory_space<vmem>>
    %dma_wait3A_39 = tpu.memref_squeeze %dma_wait3A_38 : memref<1x80xi32, #tpu.memory_space<vmem>> -> memref<80xi32, #tpu.memory_space<vmem>>
    %dma_wait3A_40 = arith.constant 0 : i32
    %dma_wait3A_41 = arith.constant 0 : i32
    %dma_wait3A_42 = tpu.memref_slice %arg2[%dma_wait3A_40, %dma_wait3A_41] : memref<10000x128xf32, #tpu.memory_space<hbm>> -> memref<10000x128xf32, #tpu.memory_space<hbm>>
    tpu.wait_indirect_dma semaphore(%arg13 : memref<!tpu.dma_semaphore, #tpu.memory_space<semaphore_mem>>) src(%dma_wait3A_42 : memref<10000x128xf32, #tpu.memory_space<hbm>>) dst(%arg10 : memref<80x128xf32, #tpu.memory_space<vmem>>)
    %dma_wait3A_43 = arith.constant 0 : i32
    %dma_wait3A_44 = arith.constant 0 : i32
    %dma_wait3A_45 = tpu.memref_slice %arg4[%add3A, %dma_wait3A_43, %dma_wait3A_44] : memref<32x125x80xi32, #tpu.memory_space<hbm>> -> memref<1x1x80xi32, #tpu.memory_space<hbm>>
    %dma_wait3A_46 = tpu.memref_squeeze %dma_wait3A_45 : memref<1x1x80xi32, #tpu.memory_space<hbm>> -> memref<80xi32, #tpu.memory_space<hbm>>
    %dma_wait3A_47 = arith.constant 0 : i32
    %dma_wait3A_48 = tpu.memref_slice %arg4[%add3A, %dma_wait3A_43, %dma_wait3A_47] : memref<32x125x80xi32, #tpu.memory_space<hbm>> -> memref<1x1x80xi32, #tpu.memory_space<hbm>>
    %dma_wait3A_49 = tpu.memref_squeeze %dma_wait3A_48 : memref<1x1x80xi32, #tpu.memory_space<hbm>> -> memref<80xi32, #tpu.memory_space<hbm>>
    tpu.wait_dma2 semaphore(%arg15 : memref<!tpu.dma_semaphore, #tpu.memory_space<semaphore_mem>>) src(%dma_wait3A_49 : memref<80xi32, #tpu.memory_space<hbm>>) dst(%arg8 : memref<80xi32, #tpu.memory_space<vmem>>)
    "tpu.region"() ({
      %run_scoped3A = tpu.sem_alloc : memref<!tpu.dma_semaphore, #tpu.memory_space<semaphore_mem>>
      %dma_start3A_55 = arith.constant 0 : i32
      %dma_start3A_56 = arith.constant 0 : i32
      %dma_start3A_57 = tpu.memref_slice %arg12[%dma_start3A_55, %dma_start3A_56] : memref<10240x128xf32, #tpu.memory_space<vmem_shared>> -> memref<10240x128xf32, #tpu.memory_space<vmem_shared>>
      tpu.enqueue_indirect_dma source(%arg10 : memref<80x128xf32, #tpu.memory_space<vmem>>) target(%dma_start3A_57 : memref<10240x128xf32, #tpu.memory_space<vmem_shared>>) offsets(%arg8 : memref<80xi32, #tpu.memory_space<vmem>>) semaphore(%run_scoped3A : memref<!tpu.dma_semaphore, #tpu.memory_space<semaphore_mem>>) {add = true}
      %dma_wait3A_58 = arith.constant 0 : i32
      %dma_wait3A_59 = arith.constant 0 : i32
      %dma_wait3A_60 = tpu.memref_slice %arg12[%dma_wait3A_58, %dma_wait3A_59] : memref<10240x128xf32, #tpu.memory_space<vmem_shared>> -> memref<10240x128xf32, #tpu.memory_space<vmem_shared>>
      tpu.wait_indirect_dma semaphore(%run_scoped3A : memref<!tpu.dma_semaphore, #tpu.memory_space<semaphore_mem>>) src(%arg10 : memref<80x128xf32, #tpu.memory_space<vmem>>) dst(%dma_wait3A_60 : memref<10240x128xf32, #tpu.memory_space<vmem_shared>>)
      tpu.yield
    }) : () -> ()
    %barrier3A_50 = arith.constant 0 : index
    tpu.barrier barrier_id(%barrier3A_50)
    %mul3A_51 = arith.constant 640 : i32
    %mul3A_52 = arith.muli %arg1, %mul3A_51 : i32
    %mul3A_53 = arith.constant 640 : i32
    %mul3A_54 = arith.muli %arg1, %mul3A_53 : i32
    "tpu.region"() ({
      %run_scoped3A = tpu.sem_alloc : memref<!tpu.dma_semaphore, #tpu.memory_space<semaphore_mem>>
      %dma_start3A_55 = arith.constant 0 : i32
      %dma_start3A_56 = tpu.memref_slice %arg6[%arg0, %mul3A_54, %dma_start3A_55] : memref<2x10240x128xf32, #tpu.memory_space<hbm>> -> memref<1x640x128xf32, #tpu.memory_space<hbm>>
      %dma_start3A_57 = tpu.memref_squeeze %dma_start3A_56 : memref<1x640x128xf32, #tpu.memory_space<hbm>> -> memref<640x128xf32, #tpu.memory_space<hbm>>
      %dma_start3A_58 = arith.constant 0 : i32
      %dma_start3A_59 = tpu.memref_slice %arg12[%mul3A_52, %dma_start3A_58] : memref<10240x128xf32, #tpu.memory_space<vmem_shared>> -> memref<640x128xf32, #tpu.memory_space<vmem_shared>>
      tpu.enqueue_dma source(%dma_start3A_59 : memref<640x128xf32, #tpu.memory_space<vmem_shared>>) target(%dma_start3A_57 : memref<640x128xf32, #tpu.memory_space<hbm>>) target_semaphore(%run_scoped3A : memref<!tpu.dma_semaphore, #tpu.memory_space<semaphore_mem>>)
      %dma_wait3A_60 = arith.constant 0 : i32
      %dma_wait3A_61 = tpu.memref_slice %arg6[%arg0, %mul3A_54, %dma_wait3A_60] : memref<2x10240x128xf32, #tpu.memory_space<hbm>> -> memref<1x640x128xf32, #tpu.memory_space<hbm>>
      %dma_wait3A_62 = tpu.memref_squeeze %dma_wait3A_61 : memref<1x640x128xf32, #tpu.memory_space<hbm>> -> memref<640x128xf32, #tpu.memory_space<hbm>>
      %dma_wait3A_63 = arith.constant 0 : i32
      %dma_wait3A_64 = tpu.memref_slice %arg12[%mul3A_52, %dma_wait3A_63] : memref<10240x128xf32, #tpu.memory_space<vmem_shared>> -> memref<640x128xf32, #tpu.memory_space<vmem_shared>>
      tpu.wait_dma2 semaphore(%run_scoped3A : memref<!tpu.dma_semaphore, #tpu.memory_space<semaphore_mem>>) src(%dma_wait3A_64 : memref<640x128xf32, #tpu.memory_space<vmem_shared>>) dst(%dma_wait3A_62 : memref<640x128xf32, #tpu.memory_space<hbm>>)
      tpu.yield
    }) : () -> ()
    return
  }
}

#map = affine_map<(d0, d1) -> (0, 0)>
#map1 = affine_map<(d0, d1) -> (0, 0, 0)>
module attributes {stable_mosaic.version = 14 : i64} {
  func.func @_sc_msgpass_body(%arg0: i32, %arg1: i32, %arg2: memref<10000x128xf32, #tpu.memory_space<hbm>>, %arg3: memref<32x125x80xi32, #tpu.memory_space<hbm>>, %arg4: memref<32x125x80xi32, #tpu.memory_space<hbm>>, %arg5: memref<640x128xf32, #tpu.memory_space<hbm>>, %arg6: memref<2x10240x128xf32, #tpu.memory_space<hbm>>, %arg7: memref<125x80xi32, #tpu.memory_space<vmem>>, %arg8: memref<80xi32, #tpu.memory_space<vmem>>, %arg9: memref<80xi32, #tpu.memory_space<vmem>>, %arg10: memref<80x128xf32, #tpu.memory_space<vmem>>, %arg11: memref<80x128xf32, #tpu.memory_space<vmem>>, %arg12: memref<10240x128xf32, #tpu.memory_space<vmem_shared>>, %arg13: memref<!tpu.dma_semaphore, #tpu.memory_space<semaphore_mem>>, %arg14: memref<!tpu.dma_semaphore, #tpu.memory_space<semaphore_mem>>, %arg15: memref<!tpu.dma_semaphore, #tpu.memory_space<semaphore_mem>>, %arg16: memref<!tpu.dma_semaphore, #tpu.memory_space<semaphore_mem>>, %arg17: memref<!tpu.dma_semaphore, #tpu.memory_space<semaphore_mem>>) attributes {dimension_semantics = [#tpu.dimension_semantics<core_parallel>, #tpu.dimension_semantics<subcore_parallel>], iteration_bounds = array<i64: 2, 16>, scalar_prefetch = 0 : i64, scratch_operands = 11 : i64, tpu.core_type = #tpu.core_type<sc_vector_subcore>, window_params = [{transform_indices = #map}, {transform_indices = #map1}, {transform_indices = #map1}, {transform_indices = #map}, {transform_indices = #map1}]} {
    %mul3A = arith.constant 16 : i32
    %mul3A_0 = arith.muli %arg0, %mul3A : i32
    %add3A = arith.addi %mul3A_0, %arg1 : i32
    %dma_start3A = arith.constant 0 : i32
    %dma_start3A_1 = arith.constant 0 : i32
    %dma_start3A_2 = tpu.memref_slice %arg3[%add3A, %dma_start3A, %dma_start3A_1] : memref<32x125x80xi32, #tpu.memory_space<hbm>> -> memref<1x125x80xi32, #tpu.memory_space<hbm>>
    %dma_start3A_3 = tpu.memref_squeeze %dma_start3A_2 : memref<1x125x80xi32, #tpu.memory_space<hbm>> -> memref<125x80xi32, #tpu.memory_space<hbm>>
    %dma_start3A_4 = arith.constant 0 : i32
    %dma_start3A_5 = arith.constant 0 : i32
    %dma_start3A_6 = tpu.memref_slice %arg3[%add3A, %dma_start3A_4, %dma_start3A_5] : memref<32x125x80xi32, #tpu.memory_space<hbm>> -> memref<1x125x80xi32, #tpu.memory_space<hbm>>
    %dma_start3A_7 = tpu.memref_squeeze %dma_start3A_6 : memref<1x125x80xi32, #tpu.memory_space<hbm>> -> memref<125x80xi32, #tpu.memory_space<hbm>>
    tpu.enqueue_dma source(%dma_start3A_7 : memref<125x80xi32, #tpu.memory_space<hbm>>) target(%arg7 : memref<125x80xi32, #tpu.memory_space<vmem>>) target_semaphore(%arg17 : memref<!tpu.dma_semaphore, #tpu.memory_space<semaphore_mem>>)
    %mul3A_8 = arith.constant 640 : i32
    %mul3A_9 = arith.muli %arg1, %mul3A_8 : i32
    "tpu.region"() ({
      %run_scoped3A = tpu.sem_alloc : memref<!tpu.dma_semaphore, #tpu.memory_space<semaphore_mem>>
      %dma_start3A_55 = arith.constant 0 : i32
      %dma_start3A_56 = tpu.memref_slice %arg12[%mul3A_9, %dma_start3A_55] : memref<10240x128xf32, #tpu.memory_space<vmem_shared>> -> memref<640x128xf32, #tpu.memory_space<vmem_shared>>
      tpu.enqueue_dma source(%arg5 : memref<640x128xf32, #tpu.memory_space<hbm>>) target(%dma_start3A_56 : memref<640x128xf32, #tpu.memory_space<vmem_shared>>) target_semaphore(%run_scoped3A : memref<!tpu.dma_semaphore, #tpu.memory_space<semaphore_mem>>)
      %dma_wait3A_57 = arith.constant 0 : i32
      %dma_wait3A_58 = tpu.memref_slice %arg12[%mul3A_9, %dma_wait3A_57] : memref<10240x128xf32, #tpu.memory_space<vmem_shared>> -> memref<640x128xf32, #tpu.memory_space<vmem_shared>>
      tpu.wait_dma2 semaphore(%run_scoped3A : memref<!tpu.dma_semaphore, #tpu.memory_space<semaphore_mem>>) src(%arg5 : memref<640x128xf32, #tpu.memory_space<hbm>>) dst(%dma_wait3A_58 : memref<640x128xf32, #tpu.memory_space<vmem_shared>>)
      tpu.yield
    }) : () -> ()
    %dma_wait3A = arith.constant 0 : i32
    %dma_wait3A_10 = arith.constant 0 : i32
    %dma_wait3A_11 = tpu.memref_slice %arg3[%add3A, %dma_wait3A, %dma_wait3A_10] : memref<32x125x80xi32, #tpu.memory_space<hbm>> -> memref<1x125x80xi32, #tpu.memory_space<hbm>>
    %dma_wait3A_12 = tpu.memref_squeeze %dma_wait3A_11 : memref<1x125x80xi32, #tpu.memory_space<hbm>> -> memref<125x80xi32, #tpu.memory_space<hbm>>
    %dma_wait3A_13 = arith.constant 0 : i32
    %dma_wait3A_14 = arith.constant 0 : i32
    %dma_wait3A_15 = tpu.memref_slice %arg3[%add3A, %dma_wait3A_13, %dma_wait3A_14] : memref<32x125x80xi32, #tpu.memory_space<hbm>> -> memref<1x125x80xi32, #tpu.memory_space<hbm>>
    %dma_wait3A_16 = tpu.memref_squeeze %dma_wait3A_15 : memref<1x125x80xi32, #tpu.memory_space<hbm>> -> memref<125x80xi32, #tpu.memory_space<hbm>>
    tpu.wait_dma2 semaphore(%arg17 : memref<!tpu.dma_semaphore, #tpu.memory_space<semaphore_mem>>) src(%dma_wait3A_16 : memref<125x80xi32, #tpu.memory_space<hbm>>) dst(%arg7 : memref<125x80xi32, #tpu.memory_space<vmem>>)
    %barrier3A = arith.constant 0 : index
    tpu.barrier barrier_id(%barrier3A)
    %dma_start3A_17 = arith.constant 0 : i32
    %dma_start3A_18 = arith.constant 0 : i32
    %dma_start3A_19 = tpu.memref_slice %arg7[%dma_start3A_17, %dma_start3A_18] : memref<125x80xi32, #tpu.memory_space<vmem>> -> memref<1x80xi32, #tpu.memory_space<vmem>>
    %dma_start3A_20 = tpu.memref_squeeze %dma_start3A_19 : memref<1x80xi32, #tpu.memory_space<vmem>> -> memref<80xi32, #tpu.memory_space<vmem>>
    %dma_start3A_21 = arith.constant 0 : i32
    %dma_start3A_22 = arith.constant 0 : i32
    %dma_start3A_23 = tpu.memref_slice %arg2[%dma_start3A_21, %dma_start3A_22] : memref<10000x128xf32, #tpu.memory_space<hbm>> -> memref<10000x128xf32, #tpu.memory_space<hbm>>
    tpu.enqueue_indirect_dma source(%dma_start3A_23 : memref<10000x128xf32, #tpu.memory_space<hbm>>) target(%arg10 : memref<80x128xf32, #tpu.memory_space<vmem>>) offsets(%dma_start3A_20 : memref<80xi32, #tpu.memory_space<vmem>>) semaphore(%arg13 : memref<!tpu.dma_semaphore, #tpu.memory_space<semaphore_mem>>)
    %dma_start3A_24 = arith.constant 0 : i32
    %dma_start3A_25 = arith.constant 0 : i32
    %dma_start3A_26 = tpu.memref_slice %arg4[%add3A, %dma_start3A_24, %dma_start3A_25] : memref<32x125x80xi32, #tpu.memory_space<hbm>> -> memref<1x1x80xi32, #tpu.memory_space<hbm>>
    %dma_start3A_27 = tpu.memref_squeeze %dma_start3A_26 : memref<1x1x80xi32, #tpu.memory_space<hbm>> -> memref<80xi32, #tpu.memory_space<hbm>>
    %dma_start3A_28 = arith.constant 0 : i32
    %dma_start3A_29 = tpu.memref_slice %arg4[%add3A, %dma_start3A_24, %dma_start3A_28] : memref<32x125x80xi32, #tpu.memory_space<hbm>> -> memref<1x1x80xi32, #tpu.memory_space<hbm>>
    %dma_start3A_30 = tpu.memref_squeeze %dma_start3A_29 : memref<1x1x80xi32, #tpu.memory_space<hbm>> -> memref<80xi32, #tpu.memory_space<hbm>>
    tpu.enqueue_dma source(%dma_start3A_30 : memref<80xi32, #tpu.memory_space<hbm>>) target(%arg8 : memref<80xi32, #tpu.memory_space<vmem>>) target_semaphore(%arg15 : memref<!tpu.dma_semaphore, #tpu.memory_space<semaphore_mem>>)
    %scan3A = arith.constant 0 : i32
    %scan3A_31 = arith.constant 0 : i32
    %scan3A_32 = arith.constant 62 : i32
    %scan3A_33 = arith.addi %scan3A_31, %scan3A_32 : i32
    %scan3A_34 = arith.constant 1 : i32
    scf.for %scan3A_55 = %scan3A_31 to %scan3A_33 step %scan3A_34  : i32 {
      %mul3A_56 = arith.constant 2 : i32
      %mul3A_57 = arith.muli %mul3A_56, %scan3A_55 : i32
      %add3A_58 = arith.constant 1 : i32
      %add3A_59 = arith.addi %mul3A_57, %add3A_58 : i32
      %dma_start3A_60 = arith.constant 0 : i32
      %dma_start3A_61 = tpu.memref_slice %arg7[%add3A_59, %dma_start3A_60] : memref<125x80xi32, #tpu.memory_space<vmem>> -> memref<1x80xi32, #tpu.memory_space<vmem>>
      %dma_start3A_62 = tpu.memref_squeeze %dma_start3A_61 : memref<1x80xi32, #tpu.memory_space<vmem>> -> memref<80xi32, #tpu.memory_space<vmem>>
      %dma_start3A_63 = arith.constant 0 : i32
      %dma_start3A_64 = arith.constant 0 : i32
      %dma_start3A_65 = tpu.memref_slice %arg2[%dma_start3A_63, %dma_start3A_64] : memref<10000x128xf32, #tpu.memory_space<hbm>> -> memref<10000x128xf32, #tpu.memory_space<hbm>>
      tpu.enqueue_indirect_dma source(%dma_start3A_65 : memref<10000x128xf32, #tpu.memory_space<hbm>>) target(%arg11 : memref<80x128xf32, #tpu.memory_space<vmem>>) offsets(%dma_start3A_62 : memref<80xi32, #tpu.memory_space<vmem>>) semaphore(%arg14 : memref<!tpu.dma_semaphore, #tpu.memory_space<semaphore_mem>>)
      %add3A_66 = arith.constant 1 : i32
      %add3A_67 = arith.addi %mul3A_57, %add3A_66 : i32
      %dma_start3A_68 = arith.constant 0 : i32
      %dma_start3A_69 = tpu.memref_slice %arg4[%add3A, %add3A_67, %dma_start3A_68] : memref<32x125x80xi32, #tpu.memory_space<hbm>> -> memref<1x1x80xi32, #tpu.memory_space<hbm>>
      %dma_start3A_70 = tpu.memref_squeeze %dma_start3A_69 : memref<1x1x80xi32, #tpu.memory_space<hbm>> -> memref<80xi32, #tpu.memory_space<hbm>>
      %dma_start3A_71 = arith.constant 0 : i32
      %dma_start3A_72 = tpu.memref_slice %arg4[%add3A, %add3A_67, %dma_start3A_71] : memref<32x125x80xi32, #tpu.memory_space<hbm>> -> memref<1x1x80xi32, #tpu.memory_space<hbm>>
      %dma_start3A_73 = tpu.memref_squeeze %dma_start3A_72 : memref<1x1x80xi32, #tpu.memory_space<hbm>> -> memref<80xi32, #tpu.memory_space<hbm>>
      tpu.enqueue_dma source(%dma_start3A_73 : memref<80xi32, #tpu.memory_space<hbm>>) target(%arg9 : memref<80xi32, #tpu.memory_space<vmem>>) target_semaphore(%arg16 : memref<!tpu.dma_semaphore, #tpu.memory_space<semaphore_mem>>)
      %dma_wait3A_74 = arith.constant 0 : i32
      %dma_wait3A_75 = arith.constant 0 : i32
      %dma_wait3A_76 = tpu.memref_slice %arg7[%dma_wait3A_74, %dma_wait3A_75] : memref<125x80xi32, #tpu.memory_space<vmem>> -> memref<1x80xi32, #tpu.memory_space<vmem>>
      %dma_wait3A_77 = tpu.memref_squeeze %dma_wait3A_76 : memref<1x80xi32, #tpu.memory_space<vmem>> -> memref<80xi32, #tpu.memory_space<vmem>>
      %dma_wait3A_78 = arith.constant 0 : i32
      %dma_wait3A_79 = arith.constant 0 : i32
      %dma_wait3A_80 = tpu.memref_slice %arg2[%dma_wait3A_78, %dma_wait3A_79] : memref<10000x128xf32, #tpu.memory_space<hbm>> -> memref<10000x128xf32, #tpu.memory_space<hbm>>
      tpu.wait_indirect_dma semaphore(%arg13 : memref<!tpu.dma_semaphore, #tpu.memory_space<semaphore_mem>>) src(%dma_wait3A_80 : memref<10000x128xf32, #tpu.memory_space<hbm>>) dst(%arg10 : memref<80x128xf32, #tpu.memory_space<vmem>>)
      %dma_wait3A_81 = arith.constant 0 : i32
      %dma_wait3A_82 = arith.constant 0 : i32
      %dma_wait3A_83 = tpu.memref_slice %arg4[%add3A, %dma_wait3A_81, %dma_wait3A_82] : memref<32x125x80xi32, #tpu.memory_space<hbm>> -> memref<1x1x80xi32, #tpu.memory_space<hbm>>
      %dma_wait3A_84 = tpu.memref_squeeze %dma_wait3A_83 : memref<1x1x80xi32, #tpu.memory_space<hbm>> -> memref<80xi32, #tpu.memory_space<hbm>>
      %dma_wait3A_85 = arith.constant 0 : i32
      %dma_wait3A_86 = tpu.memref_slice %arg4[%add3A, %dma_wait3A_81, %dma_wait3A_85] : memref<32x125x80xi32, #tpu.memory_space<hbm>> -> memref<1x1x80xi32, #tpu.memory_space<hbm>>
      %dma_wait3A_87 = tpu.memref_squeeze %dma_wait3A_86 : memref<1x1x80xi32, #tpu.memory_space<hbm>> -> memref<80xi32, #tpu.memory_space<hbm>>
      tpu.wait_dma2 semaphore(%arg15 : memref<!tpu.dma_semaphore, #tpu.memory_space<semaphore_mem>>) src(%dma_wait3A_87 : memref<80xi32, #tpu.memory_space<hbm>>) dst(%arg8 : memref<80xi32, #tpu.memory_space<vmem>>)
      "tpu.region"() ({
        %run_scoped3A = tpu.sem_alloc : memref<!tpu.dma_semaphore, #tpu.memory_space<semaphore_mem>>
        %dma_start3A_118 = arith.constant 0 : i32
        %dma_start3A_119 = arith.constant 0 : i32
        %dma_start3A_120 = tpu.memref_slice %arg12[%dma_start3A_118, %dma_start3A_119] : memref<10240x128xf32, #tpu.memory_space<vmem_shared>> -> memref<10240x128xf32, #tpu.memory_space<vmem_shared>>
        tpu.enqueue_indirect_dma source(%arg10 : memref<80x128xf32, #tpu.memory_space<vmem>>) target(%dma_start3A_120 : memref<10240x128xf32, #tpu.memory_space<vmem_shared>>) offsets(%arg8 : memref<80xi32, #tpu.memory_space<vmem>>) semaphore(%run_scoped3A : memref<!tpu.dma_semaphore, #tpu.memory_space<semaphore_mem>>) {add = true}
        %dma_wait3A_121 = arith.constant 0 : i32
        %dma_wait3A_122 = arith.constant 0 : i32
        %dma_wait3A_123 = tpu.memref_slice %arg12[%dma_wait3A_121, %dma_wait3A_122] : memref<10240x128xf32, #tpu.memory_space<vmem_shared>> -> memref<10240x128xf32, #tpu.memory_space<vmem_shared>>
        tpu.wait_indirect_dma semaphore(%run_scoped3A : memref<!tpu.dma_semaphore, #tpu.memory_space<semaphore_mem>>) src(%arg10 : memref<80x128xf32, #tpu.memory_space<vmem>>) dst(%dma_wait3A_123 : memref<10240x128xf32, #tpu.memory_space<vmem_shared>>)
        tpu.yield
      }) : () -> ()
      %add3A_88 = arith.constant 2 : i32
      %add3A_89 = arith.addi %mul3A_57, %add3A_88 : i32
      %dma_start3A_90 = arith.constant 0 : i32
      %dma_start3A_91 = tpu.memref_slice %arg7[%add3A_89, %dma_start3A_90] : memref<125x80xi32, #tpu.memory_space<vmem>> -> memref<1x80xi32, #tpu.memory_space<vmem>>
      %dma_start3A_92 = tpu.memref_squeeze %dma_start3A_91 : memref<1x80xi32, #tpu.memory_space<vmem>> -> memref<80xi32, #tpu.memory_space<vmem>>
      %dma_start3A_93 = arith.constant 0 : i32
      %dma_start3A_94 = arith.constant 0 : i32
      %dma_start3A_95 = tpu.memref_slice %arg2[%dma_start3A_93, %dma_start3A_94] : memref<10000x128xf32, #tpu.memory_space<hbm>> -> memref<10000x128xf32, #tpu.memory_space<hbm>>
      tpu.enqueue_indirect_dma source(%dma_start3A_95 : memref<10000x128xf32, #tpu.memory_space<hbm>>) target(%arg10 : memref<80x128xf32, #tpu.memory_space<vmem>>) offsets(%dma_start3A_92 : memref<80xi32, #tpu.memory_space<vmem>>) semaphore(%arg13 : memref<!tpu.dma_semaphore, #tpu.memory_space<semaphore_mem>>)
      %add3A_96 = arith.constant 2 : i32
      %add3A_97 = arith.addi %mul3A_57, %add3A_96 : i32
      %dma_start3A_98 = arith.constant 0 : i32
      %dma_start3A_99 = tpu.memref_slice %arg4[%add3A, %add3A_97, %dma_start3A_98] : memref<32x125x80xi32, #tpu.memory_space<hbm>> -> memref<1x1x80xi32, #tpu.memory_space<hbm>>
      %dma_start3A_100 = tpu.memref_squeeze %dma_start3A_99 : memref<1x1x80xi32, #tpu.memory_space<hbm>> -> memref<80xi32, #tpu.memory_space<hbm>>
      %dma_start3A_101 = arith.constant 0 : i32
      %dma_start3A_102 = tpu.memref_slice %arg4[%add3A, %add3A_97, %dma_start3A_101] : memref<32x125x80xi32, #tpu.memory_space<hbm>> -> memref<1x1x80xi32, #tpu.memory_space<hbm>>
      %dma_start3A_103 = tpu.memref_squeeze %dma_start3A_102 : memref<1x1x80xi32, #tpu.memory_space<hbm>> -> memref<80xi32, #tpu.memory_space<hbm>>
      tpu.enqueue_dma source(%dma_start3A_103 : memref<80xi32, #tpu.memory_space<hbm>>) target(%arg8 : memref<80xi32, #tpu.memory_space<vmem>>) target_semaphore(%arg15 : memref<!tpu.dma_semaphore, #tpu.memory_space<semaphore_mem>>)
      %dma_wait3A_104 = arith.constant 0 : i32
      %dma_wait3A_105 = arith.constant 0 : i32
      %dma_wait3A_106 = tpu.memref_slice %arg7[%dma_wait3A_104, %dma_wait3A_105] : memref<125x80xi32, #tpu.memory_space<vmem>> -> memref<1x80xi32, #tpu.memory_space<vmem>>
      %dma_wait3A_107 = tpu.memref_squeeze %dma_wait3A_106 : memref<1x80xi32, #tpu.memory_space<vmem>> -> memref<80xi32, #tpu.memory_space<vmem>>
      %dma_wait3A_108 = arith.constant 0 : i32
      %dma_wait3A_109 = arith.constant 0 : i32
      %dma_wait3A_110 = tpu.memref_slice %arg2[%dma_wait3A_108, %dma_wait3A_109] : memref<10000x128xf32, #tpu.memory_space<hbm>> -> memref<10000x128xf32, #tpu.memory_space<hbm>>
      tpu.wait_indirect_dma semaphore(%arg14 : memref<!tpu.dma_semaphore, #tpu.memory_space<semaphore_mem>>) src(%dma_wait3A_110 : memref<10000x128xf32, #tpu.memory_space<hbm>>) dst(%arg11 : memref<80x128xf32, #tpu.memory_space<vmem>>)
      %dma_wait3A_111 = arith.constant 0 : i32
      %dma_wait3A_112 = arith.constant 0 : i32
      %dma_wait3A_113 = tpu.memref_slice %arg4[%add3A, %dma_wait3A_111, %dma_wait3A_112] : memref<32x125x80xi32, #tpu.memory_space<hbm>> -> memref<1x1x80xi32, #tpu.memory_space<hbm>>
      %dma_wait3A_114 = tpu.memref_squeeze %dma_wait3A_113 : memref<1x1x80xi32, #tpu.memory_space<hbm>> -> memref<80xi32, #tpu.memory_space<hbm>>
      %dma_wait3A_115 = arith.constant 0 : i32
      %dma_wait3A_116 = tpu.memref_slice %arg4[%add3A, %dma_wait3A_111, %dma_wait3A_115] : memref<32x125x80xi32, #tpu.memory_space<hbm>> -> memref<1x1x80xi32, #tpu.memory_space<hbm>>
      %dma_wait3A_117 = tpu.memref_squeeze %dma_wait3A_116 : memref<1x1x80xi32, #tpu.memory_space<hbm>> -> memref<80xi32, #tpu.memory_space<hbm>>
      tpu.wait_dma2 semaphore(%arg16 : memref<!tpu.dma_semaphore, #tpu.memory_space<semaphore_mem>>) src(%dma_wait3A_117 : memref<80xi32, #tpu.memory_space<hbm>>) dst(%arg9 : memref<80xi32, #tpu.memory_space<vmem>>)
      "tpu.region"() ({
        %run_scoped3A = tpu.sem_alloc : memref<!tpu.dma_semaphore, #tpu.memory_space<semaphore_mem>>
        %dma_start3A_118 = arith.constant 0 : i32
        %dma_start3A_119 = arith.constant 0 : i32
        %dma_start3A_120 = tpu.memref_slice %arg12[%dma_start3A_118, %dma_start3A_119] : memref<10240x128xf32, #tpu.memory_space<vmem_shared>> -> memref<10240x128xf32, #tpu.memory_space<vmem_shared>>
        tpu.enqueue_indirect_dma source(%arg11 : memref<80x128xf32, #tpu.memory_space<vmem>>) target(%dma_start3A_120 : memref<10240x128xf32, #tpu.memory_space<vmem_shared>>) offsets(%arg9 : memref<80xi32, #tpu.memory_space<vmem>>) semaphore(%run_scoped3A : memref<!tpu.dma_semaphore, #tpu.memory_space<semaphore_mem>>) {add = true}
        %dma_wait3A_121 = arith.constant 0 : i32
        %dma_wait3A_122 = arith.constant 0 : i32
        %dma_wait3A_123 = tpu.memref_slice %arg12[%dma_wait3A_121, %dma_wait3A_122] : memref<10240x128xf32, #tpu.memory_space<vmem_shared>> -> memref<10240x128xf32, #tpu.memory_space<vmem_shared>>
        tpu.wait_indirect_dma semaphore(%run_scoped3A : memref<!tpu.dma_semaphore, #tpu.memory_space<semaphore_mem>>) src(%arg11 : memref<80x128xf32, #tpu.memory_space<vmem>>) dst(%dma_wait3A_123 : memref<10240x128xf32, #tpu.memory_space<vmem_shared>>)
        tpu.yield
      }) : () -> ()
    }
    %scan3A_35 = arith.constant 62 : i32
    %dma_wait3A_36 = arith.constant 0 : i32
    %dma_wait3A_37 = arith.constant 0 : i32
    %dma_wait3A_38 = tpu.memref_slice %arg7[%dma_wait3A_36, %dma_wait3A_37] : memref<125x80xi32, #tpu.memory_space<vmem>> -> memref<1x80xi32, #tpu.memory_space<vmem>>
    %dma_wait3A_39 = tpu.memref_squeeze %dma_wait3A_38 : memref<1x80xi32, #tpu.memory_space<vmem>> -> memref<80xi32, #tpu.memory_space<vmem>>
    %dma_wait3A_40 = arith.constant 0 : i32
    %dma_wait3A_41 = arith.constant 0 : i32
    %dma_wait3A_42 = tpu.memref_slice %arg2[%dma_wait3A_40, %dma_wait3A_41] : memref<10000x128xf32, #tpu.memory_space<hbm>> -> memref<10000x128xf32, #tpu.memory_space<hbm>>
    tpu.wait_indirect_dma semaphore(%arg13 : memref<!tpu.dma_semaphore, #tpu.memory_space<semaphore_mem>>) src(%dma_wait3A_42 : memref<10000x128xf32, #tpu.memory_space<hbm>>) dst(%arg10 : memref<80x128xf32, #tpu.memory_space<vmem>>)
    %dma_wait3A_43 = arith.constant 0 : i32
    %dma_wait3A_44 = arith.constant 0 : i32
    %dma_wait3A_45 = tpu.memref_slice %arg4[%add3A, %dma_wait3A_43, %dma_wait3A_44] : memref<32x125x80xi32, #tpu.memory_space<hbm>> -> memref<1x1x80xi32, #tpu.memory_space<hbm>>
    %dma_wait3A_46 = tpu.memref_squeeze %dma_wait3A_45 : memref<1x1x80xi32, #tpu.memory_space<hbm>> -> memref<80xi32, #tpu.memory_space<hbm>>
    %dma_wait3A_47 = arith.constant 0 : i32
    %dma_wait3A_48 = tpu.memref_slice %arg4[%add3A, %dma_wait3A_43, %dma_wait3A_47] : memref<32x125x80xi32, #tpu.memory_space<hbm>> -> memref<1x1x80xi32, #tpu.memory_space<hbm>>
    %dma_wait3A_49 = tpu.memref_squeeze %dma_wait3A_48 : memref<1x1x80xi32, #tpu.memory_space<hbm>> -> memref<80xi32, #tpu.memory_space<hbm>>
    tpu.wait_dma2 semaphore(%arg15 : memref<!tpu.dma_semaphore, #tpu.memory_space<semaphore_mem>>) src(%dma_wait3A_49 : memref<80xi32, #tpu.memory_space<hbm>>) dst(%arg8 : memref<80xi32, #tpu.memory_space<vmem>>)
    "tpu.region"() ({
      %run_scoped3A = tpu.sem_alloc : memref<!tpu.dma_semaphore, #tpu.memory_space<semaphore_mem>>
      %dma_start3A_55 = arith.constant 0 : i32
      %dma_start3A_56 = arith.constant 0 : i32
      %dma_start3A_57 = tpu.memref_slice %arg12[%dma_start3A_55, %dma_start3A_56] : memref<10240x128xf32, #tpu.memory_space<vmem_shared>> -> memref<10240x128xf32, #tpu.memory_space<vmem_shared>>
      tpu.enqueue_indirect_dma source(%arg10 : memref<80x128xf32, #tpu.memory_space<vmem>>) target(%dma_start3A_57 : memref<10240x128xf32, #tpu.memory_space<vmem_shared>>) offsets(%arg8 : memref<80xi32, #tpu.memory_space<vmem>>) semaphore(%run_scoped3A : memref<!tpu.dma_semaphore, #tpu.memory_space<semaphore_mem>>) {add = true}
      %dma_wait3A_58 = arith.constant 0 : i32
      %dma_wait3A_59 = arith.constant 0 : i32
      %dma_wait3A_60 = tpu.memref_slice %arg12[%dma_wait3A_58, %dma_wait3A_59] : memref<10240x128xf32, #tpu.memory_space<vmem_shared>> -> memref<10240x128xf32, #tpu.memory_space<vmem_shared>>
      tpu.wait_indirect_dma semaphore(%run_scoped3A : memref<!tpu.dma_semaphore, #tpu.memory_space<semaphore_mem>>) src(%arg10 : memref<80x128xf32, #tpu.memory_space<vmem>>) dst(%dma_wait3A_60 : memref<10240x128xf32, #tpu.memory_space<vmem_shared>>)
      tpu.yield
    }) : () -> ()
    %barrier3A_50 = arith.constant 0 : index
    tpu.barrier barrier_id(%barrier3A_50)
    %mul3A_51 = arith.constant 640 : i32
    %mul3A_52 = arith.muli %arg1, %mul3A_51 : i32
    %mul3A_53 = arith.constant 640 : i32
    %mul3A_54 = arith.muli %arg1, %mul3A_53 : i32
    "tpu.region"() ({
      %run_scoped3A = tpu.sem_alloc : memref<!tpu.dma_semaphore, #tpu.memory_space<semaphore_mem>>
      %dma_start3A_55 = arith.constant 0 : i32
      %dma_start3A_56 = tpu.memref_slice %arg6[%arg0, %mul3A_54, %dma_start3A_55] : memref<2x10240x128xf32, #tpu.memory_space<hbm>> -> memref<1x640x128xf32, #tpu.memory_space<hbm>>
      %dma_start3A_57 = tpu.memref_squeeze %dma_start3A_56 : memref<1x640x128xf32, #tpu.memory_space<hbm>> -> memref<640x128xf32, #tpu.memory_space<hbm>>
      %dma_start3A_58 = arith.constant 0 : i32
      %dma_start3A_59 = tpu.memref_slice %arg12[%mul3A_52, %dma_start3A_58] : memref<10240x128xf32, #tpu.memory_space<vmem_shared>> -> memref<640x128xf32, #tpu.memory_space<vmem_shared>>
      tpu.enqueue_dma source(%dma_start3A_59 : memref<640x128xf32, #tpu.memory_space<vmem_shared>>) target(%dma_start3A_57 : memref<640x128xf32, #tpu.memory_space<hbm>>) target_semaphore(%run_scoped3A : memref<!tpu.dma_semaphore, #tpu.memory_space<semaphore_mem>>)
      %dma_wait3A_60 = arith.constant 0 : i32
      %dma_wait3A_61 = tpu.memref_slice %arg6[%arg0, %mul3A_54, %dma_wait3A_60] : memref<2x10240x128xf32, #tpu.memory_space<hbm>> -> memref<1x640x128xf32, #tpu.memory_space<hbm>>
      %dma_wait3A_62 = tpu.memref_squeeze %dma_wait3A_61 : memref<1x640x128xf32, #tpu.memory_space<hbm>> -> memref<640x128xf32, #tpu.memory_space<hbm>>
      %dma_wait3A_63 = arith.constant 0 : i32
      %dma_wait3A_64 = tpu.memref_slice %arg12[%mul3A_52, %dma_wait3A_63] : memref<10240x128xf32, #tpu.memory_space<vmem_shared>> -> memref<640x128xf32, #tpu.memory_space<vmem_shared>>
      tpu.wait_dma2 semaphore(%run_scoped3A : memref<!tpu.dma_semaphore, #tpu.memory_space<semaphore_mem>>) src(%dma_wait3A_64 : memref<640x128xf32, #tpu.memory_space<vmem_shared>>) dst(%dma_wait3A_62 : memref<640x128xf32, #tpu.memory_space<hbm>>)
      tpu.yield
    }) : () -> ()
    return
  }
}

module attributes {stable_mosaic.version = 14 : i64} {
  func.func @_tc1_body(%arg0: memref<10000x128xf32, #tpu.memory_space<vmem>>, %arg1: memref<128x128xf32, #tpu.memory_space<vmem>>, %arg2: memref<1x128xf32, #tpu.memory_space<vmem>>, %arg3: memref<2x80x128xf32, #tpu.memory_space<vmem>>, %arg4: memref<10000x128xf32, #tpu.memory_space<vmem>>) attributes {dimension_semantics = [], scalar_prefetch = 0 : i64, scratch_operands = 0 : i64, tpu.core_type = #tpu.core_type<tc>} {
    %get3A = arith.constant 0 : index
    %get3A_0 = arith.constant 0 : index
    %get3A_1 = arith.constant 0 : index
    %get3A_2 = vector.load %arg3[%get3A, %get3A_0, %get3A_1] : memref<2x80x128xf32, #tpu.memory_space<vmem>>, vector<1x80x128xf32>
    %get3A_3 = vector.shape_cast %get3A_2 : vector<1x80x128xf32> to vector<80x128xf32>
    %reshape3A = vector.shape_cast %get3A_3 : vector<80x128xf32> to vector<10240xf32>
    %slice3A = vector.extract_strided_slice %reshape3A {offsets = [0], sizes = [10000], strides = [1]} : vector<10240xf32> to vector<10000xf32>
    %gt3A = arith.constant 0.000000e+00 : f32
    %gt3A_4 = vector.broadcast %gt3A : f32 to vector<10000xf32>
    %gt3A_5 = arith.cmpf ogt, %slice3A, %gt3A_4 : vector<10000xf32>
    %rsqrt3A = math.rsqrt %slice3A : vector<10000xf32>
    %jit3A = arith.constant 0.000000e+00 : f32
    %broadcast_in_dim3A = vector.broadcast %jit3A : f32 to vector<10000xf32>
    %select_n3A = arith.select %gt3A_5, %rsqrt3A, %broadcast_in_dim3A : vector<10000xi1>, vector<10000xf32>
    %get3A_6 = arith.constant 0 : index
    %get3A_7 = arith.constant 0 : index
    %get3A_8 = vector.load %arg0[%get3A_6, %get3A_7] : memref<10000x128xf32, #tpu.memory_space<vmem>>, vector<10000x128xf32>
    %get3A_9 = arith.constant 0 : index
    %get3A_10 = arith.constant 0 : index
    %get3A_11 = vector.load %arg1[%get3A_9, %get3A_10] : memref<128x128xf32, #tpu.memory_space<vmem>>, vector<128x128xf32>
    %dot_general3A = arith.constant dense<0.000000e+00> : vector<10000x128xf32>
    %dot_general3A_12 = tpu.matmul %get3A_8, %get3A_11, %dot_general3A {dimension_numbers = #tpu.dot_dimension_numbers<[1], [0], [0], [1], [0, 0, 1, 1], [], []>, transpose_lhs_hint = false} : vector<10000x128xf32>, vector<128x128xf32>, vector<10000x128xf32> -> vector<10000x128xf32>
    %get3A_13 = arith.constant 0 : index
    %get3A_14 = arith.constant 0 : index
    %get3A_15 = vector.load %arg2[%get3A_13, %get3A_14] : memref<1x128xf32, #tpu.memory_space<vmem>>, vector<1x128xf32>
    %add3A = vector.broadcast %get3A_15 : vector<1x128xf32> to vector<10000x128xf32>
    %add3A_16 = arith.addf %dot_general3A_12, %add3A : vector<10000x128xf32>
    %broadcast_in_dim3A_17 = vector.shape_cast %select_n3A : vector<10000xf32> to vector<10000x1xf32>
    %mul3A = vector.broadcast %broadcast_in_dim3A_17 : vector<10000x1xf32> to vector<10000x128xf32>
    %mul3A_18 = arith.mulf %add3A_16, %mul3A : vector<10000x128xf32>
    %swap3A = arith.constant 0 : index
    %swap3A_19 = arith.constant 0 : index
    %swap3A_20 = vector.load %arg4[%swap3A, %swap3A_19] : memref<10000x128xf32, #tpu.memory_space<vmem>>, vector<10000x128xf32>
    tpu.vector_store %arg4[%swap3A, %swap3A_19], %mul3A_18 {strides = array<i32>} : memref<10000x128xf32, #tpu.memory_space<vmem>>, vector<10000x128xf32>,
    return
  }
}

module attributes {stable_mosaic.version = 14 : i64} {
  func.func @_tc2_body(%arg0: memref<2x10240x128xf32, #tpu.memory_space<vmem>>, %arg1: memref<2x80x128xf32, #tpu.memory_space<vmem>>, %arg2: memref<1x128xf32, #tpu.memory_space<vmem>>, %arg3: memref<10000x128xf32, #tpu.memory_space<vmem>>) attributes {dimension_semantics = [], scalar_prefetch = 0 : i64, scratch_operands = 0 : i64, tpu.core_type = #tpu.core_type<tc>} {
    %get3A = arith.constant 0 : index
    %get3A_0 = arith.constant 0 : index
    %get3A_1 = arith.constant 0 : index
    %get3A_2 = vector.load %arg1[%get3A, %get3A_0, %get3A_1] : memref<2x80x128xf32, #tpu.memory_space<vmem>>, vector<1x80x128xf32>
    %get3A_3 = vector.shape_cast %get3A_2 : vector<1x80x128xf32> to vector<80x128xf32>
    %reshape3A = vector.shape_cast %get3A_3 : vector<80x128xf32> to vector<10240xf32>
    %slice3A = vector.extract_strided_slice %reshape3A {offsets = [0], sizes = [10000], strides = [1]} : vector<10240xf32> to vector<10000xf32>
    %get3A_4 = arith.constant 1 : index
    %get3A_5 = arith.constant 0 : index
    %get3A_6 = arith.constant 0 : index
    %get3A_7 = vector.load %arg1[%get3A_4, %get3A_5, %get3A_6] : memref<2x80x128xf32, #tpu.memory_space<vmem>>, vector<1x80x128xf32>
    %get3A_8 = vector.shape_cast %get3A_7 : vector<1x80x128xf32> to vector<80x128xf32>
    %reshape3A_9 = vector.shape_cast %get3A_8 : vector<80x128xf32> to vector<10240xf32>
    %slice3A_10 = vector.extract_strided_slice %reshape3A_9 {offsets = [0], sizes = [10000], strides = [1]} : vector<10240xf32> to vector<10000xf32>
    %gt3A = arith.constant 0.000000e+00 : f32
    %gt3A_11 = vector.broadcast %gt3A : f32 to vector<10000xf32>
    %gt3A_12 = arith.cmpf ogt, %slice3A, %gt3A_11 : vector<10000xf32>
    %rsqrt3A = math.rsqrt %slice3A : vector<10000xf32>
    %jit3A = arith.constant 0.000000e+00 : f32
    %broadcast_in_dim3A = vector.broadcast %jit3A : f32 to vector<10000xf32>
    %select_n3A = arith.select %gt3A_12, %rsqrt3A, %broadcast_in_dim3A : vector<10000xi1>, vector<10000xf32>
    %gt3A_13 = arith.constant 0.000000e+00 : f32
    %gt3A_14 = vector.broadcast %gt3A_13 : f32 to vector<10000xf32>
    %gt3A_15 = arith.cmpf ogt, %slice3A_10, %gt3A_14 : vector<10000xf32>
    %rsqrt3A_16 = math.rsqrt %slice3A_10 : vector<10000xf32>
    %jit3A_17 = arith.constant 0.000000e+00 : f32
    %broadcast_in_dim3A_18 = vector.broadcast %jit3A_17 : f32 to vector<10000xf32>
    %select_n3A_19 = arith.select %gt3A_15, %rsqrt3A_16, %broadcast_in_dim3A_18 : vector<10000xi1>, vector<10000xf32>
    %get3A_20 = arith.constant 0 : index
    %get3A_21 = arith.constant 0 : index
    %get3A_22 = arith.constant 0 : index
    %get3A_23 = vector.load %arg0[%get3A_20, %get3A_21, %get3A_22] : memref<2x10240x128xf32, #tpu.memory_space<vmem>>, vector<1x10000x128xf32>
    %get3A_24 = vector.shape_cast %get3A_23 : vector<1x10000x128xf32> to vector<10000x128xf32>
    %get3A_25 = arith.constant 1 : index
    %get3A_26 = arith.constant 0 : index
    %get3A_27 = arith.constant 0 : index
    %get3A_28 = vector.load %arg0[%get3A_25, %get3A_26, %get3A_27] : memref<2x10240x128xf32, #tpu.memory_space<vmem>>, vector<1x10000x128xf32>
    %get3A_29 = vector.shape_cast %get3A_28 : vector<1x10000x128xf32> to vector<10000x128xf32>
    %add3A = arith.addf %get3A_24, %get3A_29 : vector<10000x128xf32>
    %broadcast_in_dim3A_30 = vector.shape_cast %select_n3A_19 : vector<10000xf32> to vector<10000x1xf32>
    %mul3A = vector.broadcast %broadcast_in_dim3A_30 : vector<10000x1xf32> to vector<10000x128xf32>
    %mul3A_31 = arith.mulf %add3A, %mul3A : vector<10000x128xf32>
    %get3A_32 = arith.constant 0 : index
    %get3A_33 = arith.constant 0 : index
    %get3A_34 = vector.load %arg2[%get3A_32, %get3A_33] : memref<1x128xf32, #tpu.memory_space<vmem>>, vector<1x128xf32>
    %add3A_35 = vector.broadcast %get3A_34 : vector<1x128xf32> to vector<10000x128xf32>
    %add3A_36 = arith.addf %mul3A_31, %add3A_35 : vector<10000x128xf32>
    %max3A = arith.constant 0.000000e+00 : f32
    %max3A_37 = vector.broadcast %max3A : f32 to vector<10000x128xf32>
    %max3A_38 = arith.maximumf %add3A_36, %max3A_37 : vector<10000x128xf32>
    %broadcast_in_dim3A_39 = vector.shape_cast %select_n3A : vector<10000xf32> to vector<10000x1xf32>
    %mul3A_40 = vector.broadcast %broadcast_in_dim3A_39 : vector<10000x1xf32> to vector<10000x128xf32>
    %mul3A_41 = arith.mulf %max3A_38, %mul3A_40 : vector<10000x128xf32>
    %swap3A = arith.constant 0 : index
    %swap3A_42 = arith.constant 0 : index
    %swap3A_43 = vector.load %arg3[%swap3A, %swap3A_42] : memref<10000x128xf32, #tpu.memory_space<vmem>>, vector<10000x128xf32>
    tpu.vector_store %arg3[%swap3A, %swap3A_42], %mul3A_41 {strides = array<i32>} : memref<10000x128xf32, #tpu.memory_space<vmem>>, vector<10000x128xf32>,
    return
  }
}

module attributes {stable_mosaic.version = 14 : i64} {
  func.func @_tc3_body(%arg0: memref<2x10240x128xf32, #tpu.memory_space<vmem>>, %arg1: memref<2x80x128xf32, #tpu.memory_space<vmem>>, %arg2: memref<128x128xf32, #tpu.memory_space<vmem>>, %arg3: memref<1x128xf32, #tpu.memory_space<vmem>>, %arg4: memref<10000x128xf32, #tpu.memory_space<vmem>>) attributes {dimension_semantics = [], scalar_prefetch = 0 : i64, scratch_operands = 0 : i64, tpu.core_type = #tpu.core_type<tc>} {
    %get3A = arith.constant 1 : index
    %get3A_0 = arith.constant 0 : index
    %get3A_1 = arith.constant 0 : index
    %get3A_2 = vector.load %arg1[%get3A, %get3A_0, %get3A_1] : memref<2x80x128xf32, #tpu.memory_space<vmem>>, vector<1x80x128xf32>
    %get3A_3 = vector.shape_cast %get3A_2 : vector<1x80x128xf32> to vector<80x128xf32>
    %reshape3A = vector.shape_cast %get3A_3 : vector<80x128xf32> to vector<10240xf32>
    %slice3A = vector.extract_strided_slice %reshape3A {offsets = [0], sizes = [10000], strides = [1]} : vector<10240xf32> to vector<10000xf32>
    %gt3A = arith.constant 0.000000e+00 : f32
    %gt3A_4 = vector.broadcast %gt3A : f32 to vector<10000xf32>
    %gt3A_5 = arith.cmpf ogt, %slice3A, %gt3A_4 : vector<10000xf32>
    %rsqrt3A = math.rsqrt %slice3A : vector<10000xf32>
    %jit3A = arith.constant 0.000000e+00 : f32
    %broadcast_in_dim3A = vector.broadcast %jit3A : f32 to vector<10000xf32>
    %select_n3A = arith.select %gt3A_5, %rsqrt3A, %broadcast_in_dim3A : vector<10000xi1>, vector<10000xf32>
    %get3A_6 = arith.constant 0 : index
    %get3A_7 = arith.constant 0 : index
    %get3A_8 = arith.constant 0 : index
    %get3A_9 = vector.load %arg0[%get3A_6, %get3A_7, %get3A_8] : memref<2x10240x128xf32, #tpu.memory_space<vmem>>, vector<1x10000x128xf32>
    %get3A_10 = vector.shape_cast %get3A_9 : vector<1x10000x128xf32> to vector<10000x128xf32>
    %get3A_11 = arith.constant 1 : index
    %get3A_12 = arith.constant 0 : index
    %get3A_13 = arith.constant 0 : index
    %get3A_14 = vector.load %arg0[%get3A_11, %get3A_12, %get3A_13] : memref<2x10240x128xf32, #tpu.memory_space<vmem>>, vector<1x10000x128xf32>
    %get3A_15 = vector.shape_cast %get3A_14 : vector<1x10000x128xf32> to vector<10000x128xf32>
    %add3A = arith.addf %get3A_10, %get3A_15 : vector<10000x128xf32>
    %broadcast_in_dim3A_16 = vector.shape_cast %select_n3A : vector<10000xf32> to vector<10000x1xf32>
    %mul3A = vector.broadcast %broadcast_in_dim3A_16 : vector<10000x1xf32> to vector<10000x128xf32>
    %mul3A_17 = arith.mulf %add3A, %mul3A : vector<10000x128xf32>
    %get3A_18 = arith.constant 0 : index
    %get3A_19 = arith.constant 0 : index
    %get3A_20 = vector.load %arg2[%get3A_18, %get3A_19] : memref<128x128xf32, #tpu.memory_space<vmem>>, vector<128x128xf32>
    %dot_general3A = arith.constant dense<0.000000e+00> : vector<10000x128xf32>
    %dot_general3A_21 = tpu.matmul %mul3A_17, %get3A_20, %dot_general3A {dimension_numbers = #tpu.dot_dimension_numbers<[1], [0], [0], [1], [0, 0, 1, 1], [], []>, transpose_lhs_hint = false} : vector<10000x128xf32>, vector<128x128xf32>, vector<10000x128xf32> -> vector<10000x128xf32>
    %get3A_22 = arith.constant 0 : index
    %get3A_23 = arith.constant 0 : index
    %get3A_24 = vector.load %arg3[%get3A_22, %get3A_23] : memref<1x128xf32, #tpu.memory_space<vmem>>, vector<1x128xf32>
    %add3A_25 = vector.broadcast %get3A_24 : vector<1x128xf32> to vector<10000x128xf32>
    %add3A_26 = arith.addf %dot_general3A_21, %add3A_25 : vector<10000x128xf32>
    %max3A = arith.constant 0.000000e+00 : f32
    %max3A_27 = vector.broadcast %max3A : f32 to vector<10000x128xf32>
    %max3A_28 = arith.maximumf %add3A_26, %max3A_27 : vector<10000x128xf32>
    %swap3A = arith.constant 0 : index
    %swap3A_29 = arith.constant 0 : index
    %swap3A_30 = vector.load %arg4[%swap3A, %swap3A_29] : memref<10000x128xf32, #tpu.memory_space<vmem>>, vector<10000x128xf32>
    tpu.vector_store %arg4[%swap3A, %swap3A_29], %max3A_28 {strides = array<i32>} : memref<10000x128xf32, #tpu.memory_space<vmem>>, vector<10000x128xf32>,
    return
  }
}

</mosaic_0001>

<sc_bundles>
// kernel: kernel.11.cloned.1.call-start
scs
__scs_entry_jumppad:
0x0: {  	(pc) =	sbr.rel $0x88, $3  }
0x1: {  	(tag) =	ssettag $0x0;
	lr =	simm.s32 $0x1  }
0x2: {  	[smem:$0x3F9A] =	sst lr;
	_ =	strace $0xD0000000  }
0x3: {  	_ = 	snop  }
0x4: {  	_ = 	snop  }
0x5: {  	_ = 	snop  }
0x6: {  	_ = 	snop  }
0x7: {  	_ = 	snop  }
__scs_overlays_trampoline_lowered:
0x8: {  	[smem:$0x3FA9] =	sst s0  }
0x9: {  	[smem:$0x3FAA] =	sst s1  }
0xa: {  	[smem:$0x3FAB] =	sst s2  }
0xb: {  	[smem:$0x3FAC] =	sst s3  }
0xc: {  	[smem:$0x3FAD] =	sst s4  }
0xd: {  	[smem:$0x3FAE] =	sst s5  }
0xe: {  	[smem:$0x3FAF] =	sst s6  }
0xf: {  	[smem:$0x3FB0] =	sst s7  }
0x10: {  	[smem:$0x3FB1] =	sst s8  }
0x11: {  	[smem:$0x3FB2] =	sst s9;
	s0 =	simm.s32 @!p0 $0x0  }
0x12: {  	s1 =	sld [smem:$0x3F98];
	s0 =	simm.s32 @p0 $0x1  }
0x13: {  	[smem:$0x3FB3] =	sst s0;
	s0 =	simm.s32 @!p1 $0x0  }
0x14: {  	s2 =	sld [smem:$0x3F97];
	s0 =	simm.s32 @p1 $0x1  }
0x15: {  	[smem:$0x3FB4] =	sst s0;
	s0 =	simm.s32 @!p2 $0x0  }
0x16: {  	s3 =	sld [smem:$0x3FDB];
	s0 =	simm.s32 @p2 $0x1  }
0x17: {  	s4 =	simm.s32 $0x1BF5;
	[smem:$0x3FB6] =	sst s0  }
0x18: {  	s0 =	sld [smem:$0x3F99];
	_ =	swait.ge [sflag:s4], $0x0  }
0x19: {  	s7 =	sld [smem:$0x3F9A]  }
0x1a: {  	s8 =	sadd.s32 $0xFFFFE003, lr  }
0x1b: {  	s9 =	sadd.s32 $0xFFFFFEF7, lr;
	s5 =	simm.s32 $0xFFFFFFFF;
	p2 =	slt.u32 s8, $0xFFFFF086  }
0x1c: {  	p1 =	slt.u32 s9, $0xF7A;
	s5 =	simm.s32 @!p2 $0x0  }
0x1d: {  	s5 =	simm.s32 @p1 $0x1;
	p0 =	seq.s32 s7, s2  }
0x1e: {  	s7 =	smul.u32 @!p0 $0xF7A, s2;
	p2 =	seq.s32 @!p0 s5, $0x0  }
0x1f: {  	s9 =	smul.u32 $0xF7A, s1;
	s8 =	simm.s32 @!p0 $0x1BF5;
	p2 =	por !p2, p0  }
0x20: {  	[sflag:s8] =	ssyncset.s32 @!p0 $0xFFFFF086;
	s6 =	sadd.s32 @!p0 s3, s7;
	s7 =	simm.s32 @!p0 $0x108  }
0x21: {  	s3 =	sadd.s32 s3, s9;
	s6 =	sadd.s32 @!p0 $0x88, s6;
	s7 =	simm.s32 @p2 $0x1082  }
0x22: {  	[simem:s7], [sflag:s8] =	dma.local @!p0 [hbm:s6], $0xF7A  }
0x23: {  	s9 =	sor.u32 $0xD0000000, s2;
	s6 =	simm.s32 $0x108;
	_ =	swait.ge @!p0 [sflag:s8], $0x0  }
0x24: {  	s3 =	sadd.s32 $0x88, s3;
	s6 =	simm.s32 @!p1 $0x1082;
	[sflag:s4] =	ssyncset.s32 $0xFFFFF086  }
0x25: {  	[simem:s6], [sflag:s4] =	dma.local [hbm:s3], $0xF7A  }
0x26: {  	[smem:$0x3F9A] =	sst s1;
	(tag) =	ssettag s2;
	_ =	strace s9  }
0x27: {  	s1 =	sld [smem:$0x3FAA]  }
0x28: {  	s2 =	sld [smem:$0x3FAB]  }
0x29: {  	s4 =	sld [smem:$0x3FAD]  }
0x2a: {  	p0 =	seq.s32 s5, $0x0;
	s5 =	sld [smem:$0x3FAE]  }
0x2b: {  	s6 =	sld [smem:$0x3FAF]  }
0x2c: {  	s7 =	sld [smem:$0x3FB0]  }
0x2d: {  	s3 =	simm.s32 $0x108;
	s8 =	sld [smem:$0x3FB1]  }
0x2e: {  	s3 =	simm.s32 @!p0 $0x1082;
	s9 =	sld [smem:$0x3FB2]  }
0x2f: {  	lr =	sadd.s32 s0, s3;
	s0 =	sld [smem:$0x3FA9]  }
0x30: {  	s3 =	sld [smem:$0x3FAC]  }
0x31: {  	[smem:$0x3FB5] =	sst s10  }
0x32: {  	s10 =	sld [smem:$0x3FB3];
	_ =	sdelay $0x3  }
0x33: {  	p0 =	seq.s32 s10, $0x1;
	s10 =	sld [smem:$0x3FB5];
	_ =	sdelay $0x3  }
0x34: {  	[smem:$0x3FB5] =	sst s10  }
0x35: {  	s10 =	sld [smem:$0x3FB4];
	_ =	sdelay $0x3  }
0x36: {  	p1 =	seq.s32 s10, $0x1;
	s10 =	sld [smem:$0x3FB5];
	_ =	sdelay $0x3  }
0x37: {  	[smem:$0x3FB5] =	sst s10  }
0x38: {  	s10 =	sld [smem:$0x3FB6]  }
0x39: {  	_ = 	snop;
	(pc) =	sbr.ind lr, $3  }
0x3a: {  	_ = 	snop  }
0x3b: {  	_ = 	snop  }
0x3c: {  	p2 =	seq.s32 s10, $0x1;
	s10 =	sld [smem:$0x3FB5]  }
0x3d: {  	_ =	shalt  }
0x3e: {  	_ =	shalt  }
0x3f: {  	_ =	shalt  }
0x40: {  	_ =	shalt  }
0x41: {  	_ =	shalt  }
0x42: {  	_ =	shalt  }
0x43: {  	_ =	shalt  }
0x44: {  	_ =	shalt  }
0x45: {  	_ =	shalt  }
0x46: {  	_ =	shalt  }
0x47: {  	_ =	shalt  }
0x48: {  	_ =	shalt  }
0x49: {  	_ =	shalt  }
0x4a: {  	_ =	shalt  }
0x4b: {  	_ =	shalt  }
0x4c: {  	_ =	shalt  }
0x4d: {  	_ =	shalt  }
0x4e: {  	_ =	shalt  }
0x4f: {  	_ =	shalt  }
0x50: {  	_ =	shalt  }
0x51: {  	_ =	shalt  }
0x52: {  	_ =	shalt  }
0x53: {  	_ =	shalt  }
0x54: {  	_ =	shalt  }
0x55: {  	_ =	shalt  }
0x56: {  	_ =	shalt  }
0x57: {  	_ =	shalt  }
0x58: {  	_ =	shalt  }
0x59: {  	_ =	shalt  }
0x5a: {  	_ =	shalt  }
0x5b: {  	_ =	shalt  }
0x5c: {  	_ =	shalt  }
0x5d: {  	_ =	shalt  }
0x5e: {  	_ =	shalt  }
0x5f: {  	_ =	shalt  }
0x60: {  	_ =	shalt  }
0x61: {  	_ =	shalt  }
0x62: {  	_ =	shalt  }
0x63: {  	_ =	shalt  }
0x64: {  	_ =	shalt  }
0x65: {  	_ =	shalt  }
0x66: {  	_ =	shalt  }
0x67: {  	_ =	shalt  }
0x68: {  	_ =	shalt  }
0x69: {  	_ =	shalt  }
0x6a: {  	_ =	shalt  }
0x6b: {  	_ =	shalt  }
0x6c: {  	_ =	shalt  }
0x6d: {  	_ =	shalt  }
0x6e: {  	_ =	shalt  }
0x6f: {  	_ =	shalt  }
0x70: {  	_ =	shalt  }
0x71: {  	_ =	shalt  }
0x72: {  	_ =	shalt  }
0x73: {  	_ =	shalt  }
0x74: {  	_ =	shalt  }
0x75: {  	_ =	shalt  }
0x76: {  	_ =	shalt  }
0x77: {  	_ =	shalt  }
0x78: {  	_ =	shalt  }
0x79: {  	_ =	shalt  }
0x7a: {  	_ =	shalt  }
0x7b: {  	_ =	shalt  }
0x7c: {  	_ =	shalt  }
0x7d: {  	_ =	shalt  }
0x7e: {  	_ =	shalt  }
0x7f: {  	_ =	shalt  }
0x80: {  	_ =	shalt  }
0x81: {  	_ =	shalt  }
0x82: {  	_ =	shalt  }
0x83: {  	_ =	shalt  }
0x84: {  	_ =	shalt  }
0x85: {  	_ =	shalt  }
0x86: {  	_ =	shalt  }
0x87: {  	_ =	shalt  }
.Lfunc_end0:
.L_simem_size_0:
called_computation.1_lowered:
.L_overlay_start_0:
0x88: {  	s2 =	sld [smem:$0x3FD9]  }
0x89: {  	s3 =	sld [smem:$0x3FFE];
	_ =	sdelay $0x1  }
0x8a: {  	s1 =	srdreg.scid  }
0x8b: {  	s0 =	sand.u32 $0x1, s1  }
0x8c: {  	s17 =	sshll.u32 s0, $0xA;
	s2 =	sadd.s32 s3, s2  }
0x8d: {  	s2 =	sadd.s32 s2, s17  }
0x8e: {  	[smem:$0x3FC1] =	sst s2  }
0x8f: {  	_ = 	snop  }
0x90: {  	s2 =	sld [smem:$0x3FD0];
	(tm) =	ssettm $0x1  }
0x91: {  	s18 =	sld [smem:$0x3FFB];
	_ =	sdelay $0x3  }
0x92: {  	_ =	strace s18  }
0x93: {  	s3 =	sld [smem:$0x3FFC];
	_ =	sdelay $0x3  }
0x94: {  	_ =	strace s3  }
0x95: {  	s3 =	sld [smem:$0x3FFD];
	_ =	sdelay $0x3  }
0x96: {  	_ =	strace s3  }
0x97: {  	_ =	strace $0x8FFFFFFF  }
0x98: {  	s19 =	sld [smem:$0x3FDB];
	_ =	sdelay $0x1  }
0x99: {  	s4 =	simm.s32 $_scs_section_size  }
0x9a: {  	s5 =	simm.s32 $_size__tile_overlayer_lowered;
	s6 =	simm.s32 $_tile_overlayer_lowered  }
0x9b: {  	s22 =	simm.s32 $0x1BFF;
	s21 =	sshll.u32 s6, $0x1;
	s3 =	sadd.s32 s4, s19  }
0x9c: {  	s7 =	simm.s32 $0x0;
	s20 =	sshll.u32 s5, $0x1;
	s5 =	sadd.s32 s21, s3  }
0x9d: {  	[timem:s7], [sflag:s22] =	dma.local [hbm:s5], s20  }
0x9e: {  	_ =	swait.ge [sflag:s22], s20  }
0x9f: {  	s4 =	ssub.s32 $0x0, s20;
	[sflag:s22] =	ssyncset.done $0x0  }
0xa0: {  	[sflag:s22] =	ssyncadd.s32 s4;
	_ =	sdelay $0x1  }
0xa1: {  	s23 =	simm.s32 $0x1B8B  }
0xa2: {  	_ =	swait.ge [sflag:s23], $0x1  }
0xa3: {  	[sflag:s23] =	ssyncset.done $0x0  }
0xa4: {  	s25 =	simm.s32 $0x1B8E;
	s24 =	sld [smem:$0x3FFE];
	[sflag:s23] =	ssyncadd.s32 $0xFFFFFFFF  }
0xa5: {  	s26 =	simm.s32 $execute0_lowered;
	[smem:$0x3FD2] =	sst s25  }
0xa6: {  	s5 =	sshll.u32 s26, $0x1;
	_ =	strace $0x80000049;
	[dreg:$0x1] =	wrdreg $0xFFFFFFFF  }
0xa7: {  	s28 =	simm.s32 $_size_execute0_lowered;
	s3 =	sadd.s32 s3, s5;
	[dreg:$0x0] =	wrdreg $0x0  }
0xa8: {  	s5 =	sshll.u32 s28, $0x1;
	[dreg:$0x2] =	wrdreg s3  }
0xa9: {  	[dreg:$0x3] =	wrdreg s5  }
0xaa: {  	[dreg:$0x4] =	wrdreg $0xC0  }
0xab: {  	_ =	task [dreg:s7], $0x5FFFF  }
0xac: {  	[dreg:$0x1] =	wrdreg $0xFFFFFFFF  }
0xad: {  	[dreg:$0x0] =	wrdreg $0x60  }
0xae: {  	[dreg:$0x2] =	wrdreg s2  }
0xaf: {  	[dreg:$0x3] =	wrdreg s24  }
0xb0: {  	[dreg:$0x4] =	wrdreg $0x91000  }
0xb1: {  	[dreg:$0x5] =	wrdreg $0x9  }
0xb2: {  	_ =	task.clear_ibuf [dreg:s7], $0x6FFFF;
	_ =	strace $0x90000049  }
0xb3: {  	s29 =	simm.s32 $0x9;
	_ =	strace $0x8000004B  }
0xb4: {  	_ =	swait.ge [sflag:s29], $0x1  }
0xb5: {  	[sflag:s29] =	ssyncadd.s32 $0xFFFFFFFF  }
0xb6: {  	_ =	strace $0x9000004B  }
0xb7: {  	_ =	sfence  }
0xb8: {  	s30 =	sld [smem:$0x0];
	_ =	sdelay $0x2  }
0xb9: {  	s31 =	sshll.u32 s1, $0xD;
	s1 =	sshrl.u32 s1, $0x2  }
0xba: {  	s3 =	sand.u32 $0x4000, s31;
	s1 =	sadd.s32 s1, s30  }
0xbb: {  	s0 =	sor.u32 s3, s0;
	s1 =	sshll.u32 s1, $0x11  }
0xbc: {  	s0 =	sor.u32 s1, s0  }
0xbd: {  	s0 =	sadd.s32 $0x8F2B, s0  }
0xbe: {  	[sflag:s0] =	ssyncadd.remote.s32 $0x1  }
0xbf: {  	_ =	sfence.sel $0xFFFF  }
0xc0: {  	[dreg:$0x0] =	wrdreg $0xFFFFFFFF;
	(pc) =	sbr.abs _section_cstart, $3  }
0xc1: {  	[dreg:$0x1] =	wrdreg $0xFFFFFFFF  }
0xc2: {  	_ =	task.clear_ibuf [dreg:s7], $0x2FFFF;
	_ =	strace $0x9FFFFFFF  }
0xc3: {  	(tm) =	ssettm $0x7FFFFFFF  }
tec
execute0_lowered:
.L_overlay_start_1:
0x0: {  	(tag) =	ssettag $0x1  }
0x1: {  	s2 =	rddreg [dreg:$0x0]  }
0x2: {  	s0 =	rddreg [dreg:$0x1]  }
0x3: {  	s4 =	srdreg.scid;
	s3 =	rddreg [dreg:$0x2]  }
0x4: {  	s1 =	stileid.u32;
	s14 =	simm.s32 $0x6;
	s15 =	simm.s32 $0x5  }
0x5: {  	s16 =	simm.s32 $0x50;
	s17 =	simm.s32 $0x4100;
	s18 =	simm.s32 $0x4000  }
0x6: {  	s19 =	simm.s32 $0x6900;
	s20 =	simm.s32 $0x4080;
	s21 =	simm.s32 $0x1  }
0x7: {  	s22 =	simm.s32 $0x3;
	s23 =	simm.s32 $0x2;
	s24 =	simm.s32 $0x4  }
0x8: {  	s25 =	simm.s32 $0x0;
	s7 =	sand.u32 $0x1, s4;
	s9 =	smul.u32 $0x14000, s1  }
0x9: {  	s6 =	sshll.u32 s1, $0xE;
	s4 =	simm.s32 $0x0;
	s13 =	smul.u32 $0x50000, s1  }
0xa: {  	s31 =	sshll.u32 s1, $0x6;
	s5 =	sshll.u32 s7, $0x12;
	s8 =	smul.u32 $0x140000, s7  }
0xb: {  	[smem:$0x7FF] =	sst s4;
	s29 =	ssub.s32 $0x2, s7;
	s7 =	sadd.s32 $0x22E00, s0  }
0xc: {  	s5 =	sor.u32 s6, s5;
	_ =	strace $0x8000004A;
	s6 =	sadd.s32 $0x2E00, s0  }
0xd: {  	s12 =	sshrl.u32 s29, $0x1;
	s30 =	sshrl.u32 s13, $0x2;
	s10 =	sshrl.u32 s5, $0x3  }
0xe: {  	s8 =	sadd.s32 s9, s8;
	s12 =	ssub.s32 s29, s12;
	s13 =	sadd.s32 s30, s3  }
0xf: {  	s9 =	sor.u32 $0x1C06, s31;
	s11 =	sadd.s32 s10, s0;
	s8 =	sshrl.u32 s8, $0x3  }
0x10: {  	s10 =	sadd.s32 s6, s10;
	s12 =	smax.u32 s12, $0x1;
	s0 =	sadd.s32 s8, s0  }
0x11: {  	s13 =	sshrl.u32 s13, $0x3;
	s8 =	sadd.s32 $0x12E00, s11;
	s11 =	sadd.s32 $0x25600, s0  }
.LBB2_1:
0x12: {  	[tilespmem:s4], [sflag:$0x5] =	stream.linear.gather [hbm4b:s8+s4], $0x3E80, $0x38;
	[tilespmem:$0x1D100] =	vst v63  }
0x13: {  	[spmem:s13], [sflag:s9] =	dma.local [hbm:s7], $0x2800  }
0x14: {  	_ =	swait.ge [sflag:s14], $0x2800  }
0x15: {  	[sflag:s14] =	ssyncset.done $0x0  }
0x16: {  	[sflag:s14] =	ssyncadd.s32 $0xFFFFD800  }
0x17: {  	_ =	swait.ge [sflag:s15], $0x3E80  }
0x18: {  	s0 =	simm.s32 $0x80;
	s26 =	simm.s32 $0x0;
	[sflag:s15] =	ssyncset.done $0x0  }
0x19: {  	s0 =	sand.u32 $0x380, s0;
	s26 =	sand.u32 $0x3C00, s26;
	[sflag:s15] =	ssyncadd.s32 $0xFFFFC180  }
0x1a: {  	s0 =	sor.u32 s0, s26;
	[bflag:$0x0] =	sbarrier.arrive $0xFFFF  }
0x1b: {  	[tilespmem:s17], [sflag:$0x1] =	stream.indirect.gather [hbm4b:s2+s16], $0x80, s4, s16, $0xb8;
	[tilespmem:$0x1D100] =	vst v63  }
0x1c: {  	s0 =	sor.u32 s5, s0  }
0x1d: {  	[tilespmem:s18], [sflag:$0x3] =	stream.linear.gather [hbm4b:s10+s4], $0x80, $0x38;
	[tilespmem:$0x1D100] =	vst v63  }
0x1e: {  	s29 =	simm.s32 $0x80;
	s0 =	sshrl.u32 s0, $0x3  }
0x1f: {  	[tilespmem:s19], [sflag:$0x2] =	stream.indirect.gather [hbm4b:s2+s16], $0x80, s29, s16, $0xb8;
	[tilespmem:$0x1D100] =	vst v63  }
0x20: {  	s0 =	sadd.s32 s6, s0  }
0x21: {  	[tilespmem:s20], [sflag:$0x4] =	stream.linear.gather [hbm4b:s0+s4], $0x80, $0x38;
	[tilespmem:$0x1D100] =	vst v63  }
0x22: {  	_ =	swait.ge [sflag:s21], $0x2800  }
0x23: {  	[sflag:s21] =	ssyncset.done $0x0  }
0x24: {  	[sflag:s21] =	ssyncadd.s32 $0xFFFFD800  }
0x25: {  	_ =	swait.ge [sflag:s22], $0x80  }
0x26: {  	s0 =	simm.s32 $0x100;
	[sflag:s22] =	ssyncset.done $0x0  }
0x27: {  	s29 =	sand.u32 $0x7C00, s0;
	[sflag:s22] =	ssyncadd.s32 $0xFFFFFF80  }
0x28: {  	[spmem:s3] =	stream.indirect.scatter.add.f32 [tilespmem:s17], [sflag:$0x6], $0x80, s18, s16, $0xb8;
	[tilespmem:$0x1D100] =	vst v63  }
0x29: {  	s0 =	sand.u32 $0x300, s0;
	s26 =	sadd.s32 s5, s29;
	_ =	swait.ge [sflag:s14], $0x2800  }
0x2a: {  	s0 =	sor.u32 s0, s26;
	[sflag:s14] =	ssyncset.done $0x0  }
0x2b: {  	s29 =	simm.s32 $0x100;
	s0 =	sshrl.u32 s0, $0x3;
	[sflag:s14] =	ssyncadd.s32 $0xFFFFD800  }
0x2c: {  	[tilespmem:s17], [sflag:$0x1] =	stream.indirect.gather [hbm4b:s2+s16], $0x80, s29, s16, $0xb8;
	[tilespmem:$0x1D100] =	vst v63  }
0x2d: {  	s0 =	sadd.s32 s6, s0  }
0x2e: {  	[tilespmem:s18], [sflag:$0x3] =	stream.linear.gather [hbm4b:s0+s4], $0x80, $0x38;
	[tilespmem:$0x1D100] =	vst v63  }
0x2f: {  	_ =	swait.ge [sflag:s23], $0x2800  }
0x30: {  	[sflag:s23] =	ssyncset.done $0x0  }
0x31: {  	[sflag:s23] =	ssyncadd.s32 $0xFFFFD800  }
0x32: {  	s28 =	simm.s32 $0x200;
	_ =	swait.ge [sflag:s24], $0x80  }
0x33: {  	s30 =	simm.s32 $0x300;
	s26 =	simm.s32 $0x180;
	[sflag:s24] =	ssyncset.done $0x0  }
0x34: {  	s29 =	simm.s32 $0x100;
	s0 =	simm.s32 $0x180;
	[sflag:s24] =	ssyncadd.s32 $0xFFFFFF80  }
0x35: {  	[spmem:s3] =	stream.indirect.scatter.add.f32 [tilespmem:s19], [sflag:$0x6], $0x80, s20, s16, $0xb8;
	[tilespmem:$0x1D100] =	vst v63  }
0x36: {  	s31 =	sand.u32 $0x380, s0;
	s0 =	sand.u32 $0x3C00, s29;
	_ =	swait.ge [sflag:s14], $0x2800  }
.LBB2_2:
0x37: {  	s0 =	sor.u32 s31, s0  }
0x38: {  	[sflag:s14] =	ssyncset.done $0x0;
	s31 =	smov.u32 s30;
	s29 =	sadd.s32 $0x100, s30  }
0x39: {  	p0 =	sne.s32 s30, $0x3E00;
	s0 =	sor.u32 s5, s0;
	[sflag:s14] =	ssyncadd.s32 $0xFFFFD800  }
0x3a: {  	[tilespmem:s19], [sflag:$0x2] =	stream.indirect.gather [hbm4b:s2+s16], $0x80, s26, s16, $0xb8;
	[tilespmem:$0x1D100] =	vst v63  }
0x3b: {  	s0 =	sshrl.u32 s0, $0x3  }
0x3c: {  	s0 =	sadd.s32 s6, s0  }
0x3d: {  	[tilespmem:s20], [sflag:$0x4] =	stream.linear.gather [hbm4b:s0+s4], $0x80, $0x38;
	[tilespmem:$0x1D100] =	vst v63  }
0x3e: {  	_ =	swait.ge [sflag:s21], $0x2800  }
0x3f: {  	[sflag:s21] =	ssyncset.done $0x0  }
0x40: {  	[sflag:s21] =	ssyncadd.s32 $0xFFFFD800  }
0x41: {  	_ =	swait.ge [sflag:s22], $0x80  }
0x42: {  	[sflag:s22] =	ssyncset.done $0x0  }
0x43: {  	s0 =	sand.u32 $0x7C00, s28;
	[sflag:s22] =	ssyncadd.s32 $0xFFFFFF80  }
0x44: {  	[spmem:s3] =	stream.indirect.scatter.add.f32 [tilespmem:s17], [sflag:$0x6], $0x80, s18, s16, $0xb8;
	[tilespmem:$0x1D100] =	vst v63  }
0x45: {  	s28 =	sand.u32 $0x300, s28;
	s0 =	sadd.s32 s5, s0;
	_ =	swait.ge [sflag:s14], $0x2800  }
0x46: {  	s0 =	sor.u32 s28, s0;
	s28 =	smov.u32 s31;
	[sflag:s14] =	ssyncset.done $0x0  }
0x47: {  	s30 =	sadd.s32 $0x80, s26;
	s0 =	sshrl.u32 s0, $0x3;
	[sflag:s14] =	ssyncadd.s32 $0xFFFFD800  }
0x48: {  	[tilespmem:s17], [sflag:$0x1] =	stream.indirect.gather [hbm4b:s2+s16], $0x80, s30, s16, $0xb8;
	[tilespmem:$0x1D100] =	vst v63  }
0x49: {  	s0 =	sadd.s32 s6, s0  }
0x4a: {  	[tilespmem:s18], [sflag:$0x3] =	stream.linear.gather [hbm4b:s0+s4], $0x80, $0x38;
	[tilespmem:$0x1D100] =	vst v63  }
0x4b: {  	_ =	swait.ge [sflag:s23], $0x2800  }
0x4c: {  	[sflag:s23] =	ssyncset.done $0x0  }
0x4d: {  	[sflag:s23] =	ssyncadd.s32 $0xFFFFD800  }
.Ltmp0:
0x4e: {  	_ =	swait.ge [sflag:s24], $0x80;
	(pc) =	sbr.rel @p0 .LBB2_2-.Ltmp0, $4  }
0x4f: {  	s26 =	sadd.s32 $0x100, s26;
	s0 =	sadd.s32 $0xFFFFFF80, s28;
	[sflag:s24] =	ssyncset.done $0x0  }
0x50: {  	s30 =	sadd.s32 $0xFFFFFF00, s28;
	s31 =	sand.u32 $0x380, s0;
	[sflag:s24] =	ssyncadd.s32 $0xFFFFFF80  }
0x51: {  	[spmem:s3] =	stream.indirect.scatter.add.f32 [tilespmem:s19], [sflag:$0x6], $0x80, s20, s16, $0xb8;
	[tilespmem:$0x1D100] =	vst v63  }
0x52: {  	s0 =	sand.u32 $0x3C00, s30;
	s30 =	smov.u32 s29;
	_ =	swait.ge [sflag:s14], $0x2800  }
0x53: {  	s0 =	sor.u32 s31, s0;
	[sflag:s14] =	ssyncset.done $0x0  }
0x54: {  	s0 =	sor.u32 s5, s0;
	[sflag:s14] =	ssyncadd.s32 $0xFFFFD800  }
0x55: {  	[tilespmem:s19], [sflag:$0x2] =	stream.indirect.gather [hbm4b:s2+s16], $0x80, s26, s16, $0xb8;
	[tilespmem:$0x1D100] =	vst v63  }
0x56: {  	s0 =	sshrl.u32 s0, $0x3  }
0x57: {  	s0 =	sadd.s32 s6, s0  }
0x58: {  	[tilespmem:s20], [sflag:$0x4] =	stream.linear.gather [hbm4b:s0+s4], $0x80, $0x38;
	[tilespmem:$0x1D100] =	vst v63  }
0x59: {  	_ =	swait.ge [sflag:s21], $0x2800  }
0x5a: {  	[sflag:s21] =	ssyncset.done $0x0  }
0x5b: {  	[sflag:s21] =	ssyncadd.s32 $0xFFFFD800  }
0x5c: {  	_ =	swait.ge [sflag:s22], $0x80  }
0x5d: {  	[sflag:s22] =	ssyncset.done $0x0  }
0x5e: {  	s29 =	sand.u32 $0x7C00, s28;
	[sflag:s22] =	ssyncadd.s32 $0xFFFFFF80  }
0x5f: {  	[spmem:s3] =	stream.indirect.scatter.add.f32 [tilespmem:s17], [sflag:$0x6], $0x80, s18, s16, $0xb8;
	[tilespmem:$0x1D100] =	vst v63  }
0x60: {  	s30 =	sand.u32 $0x300, s28;
	s0 =	sadd.s32 s5, s29;
	_ =	swait.ge [sflag:s14], $0x2800  }
0x61: {  	s0 =	sor.u32 s30, s0;
	[sflag:s14] =	ssyncset.done $0x0  }
0x62: {  	s31 =	sadd.s32 $0x80, s26;
	s0 =	sshrl.u32 s0, $0x3;
	[sflag:s14] =	ssyncadd.s32 $0xFFFFD800  }
0x63: {  	[tilespmem:s17], [sflag:$0x1] =	stream.indirect.gather [hbm4b:s2+s16], $0x80, s31, s16, $0xb8;
	[tilespmem:$0x1D100] =	vst v63  }
0x64: {  	s0 =	sadd.s32 s6, s0  }
0x65: {  	[tilespmem:s18], [sflag:$0x3] =	stream.linear.gather [hbm4b:s0+s4], $0x80, $0x38;
	[tilespmem:$0x1D100] =	vst v63  }
0x66: {  	_ =	swait.ge [sflag:s23], $0x2800  }
0x67: {  	[sflag:s23] =	ssyncset.done $0x0  }
0x68: {  	[sflag:s23] =	ssyncadd.s32 $0xFFFFD800  }
0x69: {  	_ =	swait.ge [sflag:s24], $0x80  }
0x6a: {  	[sflag:s24] =	ssyncset.done $0x0  }
0x6b: {  	[sflag:s24] =	ssyncadd.s32 $0xFFFFFF80  }
0x6c: {  	[spmem:s3] =	stream.indirect.scatter.add.f32 [tilespmem:s19], [sflag:$0x6], $0x80, s20, s16, $0xb8;
	[tilespmem:$0x1D100] =	vst v63  }
0x6d: {  	_ =	swait.ge [sflag:s14], $0x2800  }
0x6e: {  	[sflag:s14] =	ssyncset.done $0x0  }
0x6f: {  	[sflag:s14] =	ssyncadd.s32 $0xFFFFD800  }
0x70: {  	_ =	swait.ge [sflag:s21], $0x2800  }
0x71: {  	[sflag:s21] =	ssyncset.done $0x0  }
0x72: {  	[sflag:s21] =	ssyncadd.s32 $0xFFFFD800  }
0x73: {  	_ =	swait.ge [sflag:s22], $0x80  }
0x74: {  	[sflag:s22] =	ssyncset.done $0x0  }
0x75: {  	[sflag:s22] =	ssyncadd.s32 $0xFFFFFF80  }
0x76: {  	[spmem:s3] =	stream.indirect.scatter.add.f32 [tilespmem:s17], [sflag:$0x6], $0x80, s18, s16, $0xb8;
	[tilespmem:$0x1D100] =	vst v63  }
0x77: {  	_ =	swait.ge [sflag:s14], $0x2800  }
0x78: {  	s25 =	sadd.s32 $0x1, s25;
	[sflag:s14] =	ssyncset.done $0x0  }
0x79: {  	p0 =	sne.s32 s25, s12;
	[sflag:s14] =	ssyncadd.s32 $0xFFFFD800  }
.Ltmp1:
0x7a: {  	[bflag:$0x0] =	sbarrier.arrive $0xFFFF;
	(pc) =	sbr.rel @p0 .LBB2_1-.Ltmp1, $4  }
0x7b: {  	[hbm:s11], [sflag:s9] =	dma.local [spmem:s13], $0x2800  }
0x7c: {  	_ =	swait.ge [sflag:s14], $0x2800  }
0x7d: {  	[sflag:s14] =	ssyncset.done $0x0  }
0x7e: {  	[sflag:s14] =	ssyncadd.s32 $0xFFFFD800  }
0x7f: {  	_ =	sfence.sel $0x180000  }
0x80: {  	[bflag:$0x0] =	sbarrier.arrive $0xFFFF  }
0x81: {  	_ =	strace $0x9000004A  }
0x82: {  	[bflag:$0x2] =	sbarrier.arrive $0xFFFF  }
0x83: {  	p0 =	sne.s32 s1, $0x0;
	s0 =	rddreg [dreg:$0x3]  }
0x84: {  	s0 =	sadd.s32 @!p0 $0x100000, s0  }
0x85: {  	[sflag:s0] =	ssyncadd.tile.s32 @!p0 $0x1;
	_ =	shalt  }
.Lfunc_end2:
_tile_overlayer_lowered:
.L_overlay_start_2:
0x86: {  	(tag) =	ssettag $0x2  }
0x87: {  	s0 =	rddreg [dreg:$0x0];
	s2 =	stileid.u32  }
0x88: {  	s1 =	rddreg [dreg:$0x1];
	p0 =	sne.s32 s2, $0x0  }
0x89: {  	s3 =	rddreg [dreg:$0x2];
	[bflag:$0x3] =	sbarrier.arrive $0xFFFF;
	s2 =	simm.s32 @!p0 $0x1C06  }
0x8a: {  	[timem:s3], [sflag:s2] =	dma.local @!p0 [hbm:s0], s1  }
0x8b: {  	s0 =	simm.s32 @!p0 $0x6  }
0x8c: {  	_ =	swait.ge @!p0 [sflag:s0], s1  }
0x8d: {  	s1 =	ssub.s32 @!p0 $0x0, s1;
	[sflag:s0] =	ssyncset.done @!p0 $0x0  }
0x8e: {  	[sflag:s0] =	ssyncadd.s32 @!p0 s1  }
0x8f: {  	[bflag:$0x3] =	sbarrier.arrive $0xFFFF  }
0x90: {  	_ =	shalt  }

// kernel: kernel.14.cloned.1.call-start
scs
__scs_entry_jumppad:
0x0: {  	(pc) =	sbr.rel $0x88, $3  }
0x1: {  	(tag) =	ssettag $0x0;
	lr =	simm.s32 $0x1  }
0x2: {  	[smem:$0x3F9A] =	sst lr;
	_ =	strace $0xD0000000  }
0x3: {  	_ = 	snop  }
0x4: {  	_ = 	snop  }
0x5: {  	_ = 	snop  }
0x6: {  	_ = 	snop  }
0x7: {  	_ = 	snop  }
__scs_overlays_trampoline_lowered:
0x8: {  	[smem:$0x3FA9] =	sst s0  }
0x9: {  	[smem:$0x3FAA] =	sst s1  }
0xa: {  	[smem:$0x3FAB] =	sst s2  }
0xb: {  	[smem:$0x3FAC] =	sst s3  }
0xc: {  	[smem:$0x3FAD] =	sst s4  }
0xd: {  	[smem:$0x3FAE] =	sst s5  }
0xe: {  	[smem:$0x3FAF] =	sst s6  }
0xf: {  	[smem:$0x3FB0] =	sst s7  }
0x10: {  	[smem:$0x3FB1] =	sst s8  }
0x11: {  	[smem:$0x3FB2] =	sst s9;
	s0 =	simm.s32 @!p0 $0x0  }
0x12: {  	s1 =	sld [smem:$0x3F98];
	s0 =	simm.s32 @p0 $0x1  }
0x13: {  	[smem:$0x3FB3] =	sst s0;
	s0 =	simm.s32 @!p1 $0x0  }
0x14: {  	s2 =	sld [smem:$0x3F97];
	s0 =	simm.s32 @p1 $0x1  }
0x15: {  	[smem:$0x3FB4] =	sst s0;
	s0 =	simm.s32 @!p2 $0x0  }
0x16: {  	s3 =	sld [smem:$0x3FDB];
	s0 =	simm.s32 @p2 $0x1  }
0x17: {  	s4 =	simm.s32 $0x1BF5;
	[smem:$0x3FB6] =	sst s0  }
0x18: {  	s0 =	sld [smem:$0x3F99];
	_ =	swait.ge [sflag:s4], $0x0  }
0x19: {  	s7 =	sld [smem:$0x3F9A]  }
0x1a: {  	s8 =	sadd.s32 $0xFFFFE003, lr  }
0x1b: {  	s9 =	sadd.s32 $0xFFFFFEF7, lr;
	s5 =	simm.s32 $0xFFFFFFFF;
	p2 =	slt.u32 s8, $0xFFFFF086  }
0x1c: {  	p1 =	slt.u32 s9, $0xF7A;
	s5 =	simm.s32 @!p2 $0x0  }
0x1d: {  	s5 =	simm.s32 @p1 $0x1;
	p0 =	seq.s32 s7, s2  }
0x1e: {  	s7 =	smul.u32 @!p0 $0xF7A, s2;
	p2 =	seq.s32 @!p0 s5, $0x0  }
0x1f: {  	s9 =	smul.u32 $0xF7A, s1;
	s8 =	simm.s32 @!p0 $0x1BF5;
	p2 =	por !p2, p0  }
0x20: {  	[sflag:s8] =	ssyncset.s32 @!p0 $0xFFFFF086;
	s6 =	sadd.s32 @!p0 s3, s7;
	s7 =	simm.s32 @!p0 $0x108  }
0x21: {  	s3 =	sadd.s32 s3, s9;
	s6 =	sadd.s32 @!p0 $0x88, s6;
	s7 =	simm.s32 @p2 $0x1082  }
0x22: {  	[simem:s7], [sflag:s8] =	dma.local @!p0 [hbm:s6], $0xF7A  }
0x23: {  	s9 =	sor.u32 $0xD0000000, s2;
	s6 =	simm.s32 $0x108;
	_ =	swait.ge @!p0 [sflag:s8], $0x0  }
0x24: {  	s3 =	sadd.s32 $0x88, s3;
	s6 =	simm.s32 @!p1 $0x1082;
	[sflag:s4] =	ssyncset.s32 $0xFFFFF086  }
0x25: {  	[simem:s6], [sflag:s4] =	dma.local [hbm:s3], $0xF7A  }
0x26: {  	[smem:$0x3F9A] =	sst s1;
	(tag) =	ssettag s2;
	_ =	strace s9  }
0x27: {  	s1 =	sld [smem:$0x3FAA]  }
0x28: {  	s2 =	sld [smem:$0x3FAB]  }
0x29: {  	s4 =	sld [smem:$0x3FAD]  }
0x2a: {  	p0 =	seq.s32 s5, $0x0;
	s5 =	sld [smem:$0x3FAE]  }
0x2b: {  	s6 =	sld [smem:$0x3FAF]  }
0x2c: {  	s7 =	sld [smem:$0x3FB0]  }
0x2d: {  	s3 =	simm.s32 $0x108;
	s8 =	sld [smem:$0x3FB1]  }
0x2e: {  	s3 =	simm.s32 @!p0 $0x1082;
	s9 =	sld [smem:$0x3FB2]  }
0x2f: {  	lr =	sadd.s32 s0, s3;
	s0 =	sld [smem:$0x3FA9]  }
0x30: {  	s3 =	sld [smem:$0x3FAC]  }
0x31: {  	[smem:$0x3FB5] =	sst s10  }
0x32: {  	s10 =	sld [smem:$0x3FB3];
	_ =	sdelay $0x3  }
0x33: {  	p0 =	seq.s32 s10, $0x1;
	s10 =	sld [smem:$0x3FB5];
	_ =	sdelay $0x3  }
0x34: {  	[smem:$0x3FB5] =	sst s10  }
0x35: {  	s10 =	sld [smem:$0x3FB4];
	_ =	sdelay $0x3  }
0x36: {  	p1 =	seq.s32 s10, $0x1;
	s10 =	sld [smem:$0x3FB5];
	_ =	sdelay $0x3  }
0x37: {  	[smem:$0x3FB5] =	sst s10  }
0x38: {  	s10 =	sld [smem:$0x3FB6]  }
0x39: {  	_ = 	snop;
	(pc) =	sbr.ind lr, $3  }
0x3a: {  	_ = 	snop  }
0x3b: {  	_ = 	snop  }
0x3c: {  	p2 =	seq.s32 s10, $0x1;
	s10 =	sld [smem:$0x3FB5]  }
0x3d: {  	_ =	shalt  }
0x3e: {  	_ =	shalt  }
0x3f: {  	_ =	shalt  }
0x40: {  	_ =	shalt  }
0x41: {  	_ =	shalt  }
0x42: {  	_ =	shalt  }
0x43: {  	_ =	shalt  }
0x44: {  	_ =	shalt  }
0x45: {  	_ =	shalt  }
0x46: {  	_ =	shalt  }
0x47: {  	_ =	shalt  }
0x48: {  	_ =	shalt  }
0x49: {  	_ =	shalt  }
0x4a: {  	_ =	shalt  }
0x4b: {  	_ =	shalt  }
0x4c: {  	_ =	shalt  }
0x4d: {  	_ =	shalt  }
0x4e: {  	_ =	shalt  }
0x4f: {  	_ =	shalt  }
0x50: {  	_ =	shalt  }
0x51: {  	_ =	shalt  }
0x52: {  	_ =	shalt  }
0x53: {  	_ =	shalt  }
0x54: {  	_ =	shalt  }
0x55: {  	_ =	shalt  }
0x56: {  	_ =	shalt  }
0x57: {  	_ =	shalt  }
0x58: {  	_ =	shalt  }
0x59: {  	_ =	shalt  }
0x5a: {  	_ =	shalt  }
0x5b: {  	_ =	shalt  }
0x5c: {  	_ =	shalt  }
0x5d: {  	_ =	shalt  }
0x5e: {  	_ =	shalt  }
0x5f: {  	_ =	shalt  }
0x60: {  	_ =	shalt  }
0x61: {  	_ =	shalt  }
0x62: {  	_ =	shalt  }
0x63: {  	_ =	shalt  }
0x64: {  	_ =	shalt  }
0x65: {  	_ =	shalt  }
0x66: {  	_ =	shalt  }
0x67: {  	_ =	shalt  }
0x68: {  	_ =	shalt  }
0x69: {  	_ =	shalt  }
0x6a: {  	_ =	shalt  }
0x6b: {  	_ =	shalt  }
0x6c: {  	_ =	shalt  }
0x6d: {  	_ =	shalt  }
0x6e: {  	_ =	shalt  }
0x6f: {  	_ =	shalt  }
0x70: {  	_ =	shalt  }
0x71: {  	_ =	shalt  }
0x72: {  	_ =	shalt  }
0x73: {  	_ =	shalt  }
0x74: {  	_ =	shalt  }
0x75: {  	_ =	shalt  }
0x76: {  	_ =	shalt  }
0x77: {  	_ =	shalt  }
0x78: {  	_ =	shalt  }
0x79: {  	_ =	shalt  }
0x7a: {  	_ =	shalt  }
0x7b: {  	_ =	shalt  }
0x7c: {  	_ =	shalt  }
0x7d: {  	_ =	shalt  }
0x7e: {  	_ =	shalt  }
0x7f: {  	_ =	shalt  }
0x80: {  	_ =	shalt  }
0x81: {  	_ =	shalt  }
0x82: {  	_ =	shalt  }
0x83: {  	_ =	shalt  }
0x84: {  	_ =	shalt  }
0x85: {  	_ =	shalt  }
0x86: {  	_ =	shalt  }
0x87: {  	_ =	shalt  }
.Lfunc_end0:
.L_simem_size_0:
called_computation.2_lowered:
.L_overlay_start_0:
0x88: {  	s2 =	sld [smem:$0x3FD9]  }
0x89: {  	s3 =	sld [smem:$0x3FFE];
	_ =	sdelay $0x1  }
0x8a: {  	s1 =	srdreg.scid  }
0x8b: {  	s0 =	sand.u32 $0x1, s1  }
0x8c: {  	s17 =	sshll.u32 s0, $0xA;
	s2 =	sadd.s32 s3, s2  }
0x8d: {  	s2 =	sadd.s32 s2, s17  }
0x8e: {  	[smem:$0x3FC1] =	sst s2  }
0x8f: {  	_ = 	snop  }
0x90: {  	s2 =	sld [smem:$0x3FD0];
	(tm) =	ssettm $0x1  }
0x91: {  	s18 =	sld [smem:$0x3FFB];
	_ =	sdelay $0x3  }
0x92: {  	_ =	strace s18  }
0x93: {  	s3 =	sld [smem:$0x3FFC];
	_ =	sdelay $0x3  }
0x94: {  	_ =	strace s3  }
0x95: {  	s3 =	sld [smem:$0x3FFD];
	_ =	sdelay $0x3  }
0x96: {  	_ =	strace s3  }
0x97: {  	_ =	strace $0x8FFFFFFF  }
0x98: {  	s19 =	sld [smem:$0x3FDB];
	_ =	sdelay $0x1  }
0x99: {  	s4 =	simm.s32 $_scs_section_size  }
0x9a: {  	s5 =	simm.s32 $_size__tile_overlayer_lowered;
	s6 =	simm.s32 $_tile_overlayer_lowered  }
0x9b: {  	s22 =	simm.s32 $0x1BFF;
	s21 =	sshll.u32 s6, $0x1;
	s3 =	sadd.s32 s4, s19  }
0x9c: {  	s7 =	simm.s32 $0x0;
	s20 =	sshll.u32 s5, $0x1;
	s5 =	sadd.s32 s21, s3  }
0x9d: {  	[timem:s7], [sflag:s22] =	dma.local [hbm:s5], s20  }
0x9e: {  	_ =	swait.ge [sflag:s22], s20  }
0x9f: {  	s4 =	ssub.s32 $0x0, s20;
	[sflag:s22] =	ssyncset.done $0x0  }
0xa0: {  	[sflag:s22] =	ssyncadd.s32 s4;
	_ =	sdelay $0x1  }
0xa1: {  	s23 =	simm.s32 $0x1B8B  }
0xa2: {  	_ =	swait.ge [sflag:s23], $0x1  }
0xa3: {  	[sflag:s23] =	ssyncset.done $0x0  }
0xa4: {  	s25 =	simm.s32 $0x1B8E;
	s24 =	sld [smem:$0x3FFE];
	[sflag:s23] =	ssyncadd.s32 $0xFFFFFFFF  }
0xa5: {  	s26 =	simm.s32 $execute0_lowered;
	[smem:$0x3FD2] =	sst s25  }
0xa6: {  	s5 =	sshll.u32 s26, $0x1;
	_ =	strace $0x8000004C;
	[dreg:$0x1] =	wrdreg $0xFFFFFFFF  }
0xa7: {  	s28 =	simm.s32 $_size_execute0_lowered;
	s3 =	sadd.s32 s3, s5;
	[dreg:$0x0] =	wrdreg $0x0  }
0xa8: {  	s5 =	sshll.u32 s28, $0x1;
	[dreg:$0x2] =	wrdreg s3  }
0xa9: {  	[dreg:$0x3] =	wrdreg s5  }
0xaa: {  	[dreg:$0x4] =	wrdreg $0xC0  }
0xab: {  	_ =	task [dreg:s7], $0x5FFFF  }
0xac: {  	[dreg:$0x1] =	wrdreg $0xFFFFFFFF  }
0xad: {  	[dreg:$0x0] =	wrdreg $0x60  }
0xae: {  	[dreg:$0x2] =	wrdreg s2  }
0xaf: {  	[dreg:$0x3] =	wrdreg s24  }
0xb0: {  	[dreg:$0x4] =	wrdreg $0x91000  }
0xb1: {  	[dreg:$0x5] =	wrdreg $0x9  }
0xb2: {  	_ =	task.clear_ibuf [dreg:s7], $0x6FFFF;
	_ =	strace $0x9000004C  }
0xb3: {  	s29 =	simm.s32 $0x9;
	_ =	strace $0x8000004E  }
0xb4: {  	_ =	swait.ge [sflag:s29], $0x1  }
0xb5: {  	[sflag:s29] =	ssyncadd.s32 $0xFFFFFFFF  }
0xb6: {  	_ =	strace $0x9000004E  }
0xb7: {  	_ =	sfence  }
0xb8: {  	s30 =	sld [smem:$0x0];
	_ =	sdelay $0x2  }
0xb9: {  	s31 =	sshll.u32 s1, $0xD;
	s1 =	sshrl.u32 s1, $0x2  }
0xba: {  	s3 =	sand.u32 $0x4000, s31;
	s1 =	sadd.s32 s1, s30  }
0xbb: {  	s0 =	sor.u32 s3, s0;
	s1 =	sshll.u32 s1, $0x11  }
0xbc: {  	s0 =	sor.u32 s1, s0  }
0xbd: {  	s0 =	sadd.s32 $0x8F2B, s0  }
0xbe: {  	[sflag:s0] =	ssyncadd.remote.s32 $0x1  }
0xbf: {  	_ =	sfence.sel $0xFFFF  }
0xc0: {  	[dreg:$0x0] =	wrdreg $0xFFFFFFFF;
	(pc) =	sbr.abs _section_cstart, $3  }
0xc1: {  	[dreg:$0x1] =	wrdreg $0xFFFFFFFF  }
0xc2: {  	_ =	task.clear_ibuf [dreg:s7], $0x2FFFF;
	_ =	strace $0x9FFFFFFF  }
0xc3: {  	(tm) =	ssettm $0x7FFFFFFF  }
tec
execute0_lowered:
.L_overlay_start_1:
0x0: {  	(tag) =	ssettag $0x1  }
0x1: {  	s2 =	rddreg [dreg:$0x0]  }
0x2: {  	s0 =	rddreg [dreg:$0x1]  }
0x3: {  	s4 =	srdreg.scid;
	s3 =	rddreg [dreg:$0x2]  }
0x4: {  	s1 =	stileid.u32;
	s14 =	simm.s32 $0x6;
	s15 =	simm.s32 $0x5  }
0x5: {  	s16 =	simm.s32 $0x50;
	s17 =	simm.s32 $0x4100;
	s18 =	simm.s32 $0x4000  }
0x6: {  	s19 =	simm.s32 $0x6900;
	s20 =	simm.s32 $0x4080;
	s21 =	simm.s32 $0x1  }
0x7: {  	s22 =	simm.s32 $0x3;
	s23 =	simm.s32 $0x2;
	s24 =	simm.s32 $0x4  }
0x8: {  	s25 =	simm.s32 $0x0;
	s7 =	sand.u32 $0x1, s4;
	s9 =	smul.u32 $0x14000, s1  }
0x9: {  	s6 =	sshll.u32 s1, $0xE;
	s4 =	simm.s32 $0x0;
	s13 =	smul.u32 $0x50000, s1  }
0xa: {  	s31 =	sshll.u32 s1, $0x6;
	s5 =	sshll.u32 s7, $0x12;
	s8 =	smul.u32 $0x140000, s7  }
0xb: {  	[smem:$0x7FF] =	sst s4;
	s29 =	ssub.s32 $0x2, s7;
	s7 =	sadd.s32 $0x22E00, s0  }
0xc: {  	s5 =	sor.u32 s6, s5;
	_ =	strace $0x8000004D;
	s6 =	sadd.s32 $0x2E00, s0  }
0xd: {  	s12 =	sshrl.u32 s29, $0x1;
	s30 =	sshrl.u32 s13, $0x2;
	s10 =	sshrl.u32 s5, $0x3  }
0xe: {  	s8 =	sadd.s32 s9, s8;
	s12 =	ssub.s32 s29, s12;
	s13 =	sadd.s32 s30, s3  }
0xf: {  	s9 =	sor.u32 $0x1C06, s31;
	s11 =	sadd.s32 s10, s0;
	s8 =	sshrl.u32 s8, $0x3  }
0x10: {  	s10 =	sadd.s32 s6, s10;
	s12 =	smax.u32 s12, $0x1;
	s0 =	sadd.s32 s8, s0  }
0x11: {  	s13 =	sshrl.u32 s13, $0x3;
	s8 =	sadd.s32 $0x12E00, s11;
	s11 =	sadd.s32 $0x25600, s0  }
.LBB2_1:
0x12: {  	[tilespmem:s4], [sflag:$0x5] =	stream.linear.gather [hbm4b:s8+s4], $0x3E80, $0x38;
	[tilespmem:$0x1D100] =	vst v63  }
0x13: {  	[spmem:s13], [sflag:s9] =	dma.local [hbm:s7], $0x2800  }
0x14: {  	_ =	swait.ge [sflag:s14], $0x2800  }
0x15: {  	[sflag:s14] =	ssyncset.done $0x0  }
0x16: {  	[sflag:s14] =	ssyncadd.s32 $0xFFFFD800  }
0x17: {  	_ =	swait.ge [sflag:s15], $0x3E80  }
0x18: {  	s0 =	simm.s32 $0x80;
	s26 =	simm.s32 $0x0;
	[sflag:s15] =	ssyncset.done $0x0  }
0x19: {  	s0 =	sand.u32 $0x380, s0;
	s26 =	sand.u32 $0x3C00, s26;
	[sflag:s15] =	ssyncadd.s32 $0xFFFFC180  }
0x1a: {  	s0 =	sor.u32 s0, s26;
	[bflag:$0x0] =	sbarrier.arrive $0xFFFF  }
0x1b: {  	[tilespmem:s17], [sflag:$0x1] =	stream.indirect.gather [hbm4b:s2+s16], $0x80, s4, s16, $0xb8;
	[tilespmem:$0x1D100] =	vst v63  }
0x1c: {  	s0 =	sor.u32 s5, s0  }
0x1d: {  	[tilespmem:s18], [sflag:$0x3] =	stream.linear.gather [hbm4b:s10+s4], $0x80, $0x38;
	[tilespmem:$0x1D100] =	vst v63  }
0x1e: {  	s29 =	simm.s32 $0x80;
	s0 =	sshrl.u32 s0, $0x3  }
0x1f: {  	[tilespmem:s19], [sflag:$0x2] =	stream.indirect.gather [hbm4b:s2+s16], $0x80, s29, s16, $0xb8;
	[tilespmem:$0x1D100] =	vst v63  }
0x20: {  	s0 =	sadd.s32 s6, s0  }
0x21: {  	[tilespmem:s20], [sflag:$0x4] =	stream.linear.gather [hbm4b:s0+s4], $0x80, $0x38;
	[tilespmem:$0x1D100] =	vst v63  }
0x22: {  	_ =	swait.ge [sflag:s21], $0x2800  }
0x23: {  	[sflag:s21] =	ssyncset.done $0x0  }
0x24: {  	[sflag:s21] =	ssyncadd.s32 $0xFFFFD800  }
0x25: {  	_ =	swait.ge [sflag:s22], $0x80  }
0x26: {  	s0 =	simm.s32 $0x100;
	[sflag:s22] =	ssyncset.done $0x0  }
0x27: {  	s29 =	sand.u32 $0x7C00, s0;
	[sflag:s22] =	ssyncadd.s32 $0xFFFFFF80  }
0x28: {  	[spmem:s3] =	stream.indirect.scatter.add.f32 [tilespmem:s17], [sflag:$0x6], $0x80, s18, s16, $0xb8;
	[tilespmem:$0x1D100] =	vst v63  }
0x29: {  	s0 =	sand.u32 $0x300, s0;
	s26 =	sadd.s32 s5, s29;
	_ =	swait.ge [sflag:s14], $0x2800  }
0x2a: {  	s0 =	sor.u32 s0, s26;
	[sflag:s14] =	ssyncset.done $0x0  }
0x2b: {  	s29 =	simm.s32 $0x100;
	s0 =	sshrl.u32 s0, $0x3;
	[sflag:s14] =	ssyncadd.s32 $0xFFFFD800  }
0x2c: {  	[tilespmem:s17], [sflag:$0x1] =	stream.indirect.gather [hbm4b:s2+s16], $0x80, s29, s16, $0xb8;
	[tilespmem:$0x1D100] =	vst v63  }
0x2d: {  	s0 =	sadd.s32 s6, s0  }
0x2e: {  	[tilespmem:s18], [sflag:$0x3] =	stream.linear.gather [hbm4b:s0+s4], $0x80, $0x38;
	[tilespmem:$0x1D100] =	vst v63  }
0x2f: {  	_ =	swait.ge [sflag:s23], $0x2800  }
0x30: {  	[sflag:s23] =	ssyncset.done $0x0  }
0x31: {  	[sflag:s23] =	ssyncadd.s32 $0xFFFFD800  }
0x32: {  	s28 =	simm.s32 $0x200;
	_ =	swait.ge [sflag:s24], $0x80  }
0x33: {  	s30 =	simm.s32 $0x300;
	s26 =	simm.s32 $0x180;
	[sflag:s24] =	ssyncset.done $0x0  }
0x34: {  	s29 =	simm.s32 $0x100;
	s0 =	simm.s32 $0x180;
	[sflag:s24] =	ssyncadd.s32 $0xFFFFFF80  }
0x35: {  	[spmem:s3] =	stream.indirect.scatter.add.f32 [tilespmem:s19], [sflag:$0x6], $0x80, s20, s16, $0xb8;
	[tilespmem:$0x1D100] =	vst v63  }
0x36: {  	s31 =	sand.u32 $0x380, s0;
	s0 =	sand.u32 $0x3C00, s29;
	_ =	swait.ge [sflag:s14], $0x2800  }
.LBB2_2:
0x37: {  	s0 =	sor.u32 s31, s0  }
0x38: {  	[sflag:s14] =	ssyncset.done $0x0;
	s31 =	smov.u32 s30;
	s29 =	sadd.s32 $0x100, s30  }
0x39: {  	p0 =	sne.s32 s30, $0x3E00;
	s0 =	sor.u32 s5, s0;
	[sflag:s14] =	ssyncadd.s32 $0xFFFFD800  }
0x3a: {  	[tilespmem:s19], [sflag:$0x2] =	stream.indirect.gather [hbm4b:s2+s16], $0x80, s26, s16, $0xb8;
	[tilespmem:$0x1D100] =	vst v63  }
0x3b: {  	s0 =	sshrl.u32 s0, $0x3  }
0x3c: {  	s0 =	sadd.s32 s6, s0  }
0x3d: {  	[tilespmem:s20], [sflag:$0x4] =	stream.linear.gather [hbm4b:s0+s4], $0x80, $0x38;
	[tilespmem:$0x1D100] =	vst v63  }
0x3e: {  	_ =	swait.ge [sflag:s21], $0x2800  }
0x3f: {  	[sflag:s21] =	ssyncset.done $0x0  }
0x40: {  	[sflag:s21] =	ssyncadd.s32 $0xFFFFD800  }
0x41: {  	_ =	swait.ge [sflag:s22], $0x80  }
0x42: {  	[sflag:s22] =	ssyncset.done $0x0  }
0x43: {  	s0 =	sand.u32 $0x7C00, s28;
	[sflag:s22] =	ssyncadd.s32 $0xFFFFFF80  }
0x44: {  	[spmem:s3] =	stream.indirect.scatter.add.f32 [tilespmem:s17], [sflag:$0x6], $0x80, s18, s16, $0xb8;
	[tilespmem:$0x1D100] =	vst v63  }
0x45: {  	s28 =	sand.u32 $0x300, s28;
	s0 =	sadd.s32 s5, s0;
	_ =	swait.ge [sflag:s14], $0x2800  }
0x46: {  	s0 =	sor.u32 s28, s0;
	s28 =	smov.u32 s31;
	[sflag:s14] =	ssyncset.done $0x0  }
0x47: {  	s30 =	sadd.s32 $0x80, s26;
	s0 =	sshrl.u32 s0, $0x3;
	[sflag:s14] =	ssyncadd.s32 $0xFFFFD800  }
0x48: {  	[tilespmem:s17], [sflag:$0x1] =	stream.indirect.gather [hbm4b:s2+s16], $0x80, s30, s16, $0xb8;
	[tilespmem:$0x1D100] =	vst v63  }
0x49: {  	s0 =	sadd.s32 s6, s0  }
0x4a: {  	[tilespmem:s18], [sflag:$0x3] =	stream.linear.gather [hbm4b:s0+s4], $0x80, $0x38;
	[tilespmem:$0x1D100] =	vst v63  }
0x4b: {  	_ =	swait.ge [sflag:s23], $0x2800  }
0x4c: {  	[sflag:s23] =	ssyncset.done $0x0  }
0x4d: {  	[sflag:s23] =	ssyncadd.s32 $0xFFFFD800  }
.Ltmp0:
0x4e: {  	_ =	swait.ge [sflag:s24], $0x80;
	(pc) =	sbr.rel @p0 .LBB2_2-.Ltmp0, $4  }
0x4f: {  	s26 =	sadd.s32 $0x100, s26;
	s0 =	sadd.s32 $0xFFFFFF80, s28;
	[sflag:s24] =	ssyncset.done $0x0  }
0x50: {  	s30 =	sadd.s32 $0xFFFFFF00, s28;
	s31 =	sand.u32 $0x380, s0;
	[sflag:s24] =	ssyncadd.s32 $0xFFFFFF80  }
0x51: {  	[spmem:s3] =	stream.indirect.scatter.add.f32 [tilespmem:s19], [sflag:$0x6], $0x80, s20, s16, $0xb8;
	[tilespmem:$0x1D100] =	vst v63  }
0x52: {  	s0 =	sand.u32 $0x3C00, s30;
	s30 =	smov.u32 s29;
	_ =	swait.ge [sflag:s14], $0x2800  }
0x53: {  	s0 =	sor.u32 s31, s0;
	[sflag:s14] =	ssyncset.done $0x0  }
0x54: {  	s0 =	sor.u32 s5, s0;
	[sflag:s14] =	ssyncadd.s32 $0xFFFFD800  }
0x55: {  	[tilespmem:s19], [sflag:$0x2] =	stream.indirect.gather [hbm4b:s2+s16], $0x80, s26, s16, $0xb8;
	[tilespmem:$0x1D100] =	vst v63  }
0x56: {  	s0 =	sshrl.u32 s0, $0x3  }
0x57: {  	s0 =	sadd.s32 s6, s0  }
0x58: {  	[tilespmem:s20], [sflag:$0x4] =	stream.linear.gather [hbm4b:s0+s4], $0x80, $0x38;
	[tilespmem:$0x1D100] =	vst v63  }
0x59: {  	_ =	swait.ge [sflag:s21], $0x2800  }
0x5a: {  	[sflag:s21] =	ssyncset.done $0x0  }
0x5b: {  	[sflag:s21] =	ssyncadd.s32 $0xFFFFD800  }
0x5c: {  	_ =	swait.ge [sflag:s22], $0x80  }
0x5d: {  	[sflag:s22] =	ssyncset.done $0x0  }
0x5e: {  	s29 =	sand.u32 $0x7C00, s28;
	[sflag:s22] =	ssyncadd.s32 $0xFFFFFF80  }
0x5f: {  	[spmem:s3] =	stream.indirect.scatter.add.f32 [tilespmem:s17], [sflag:$0x6], $0x80, s18, s16, $0xb8;
	[tilespmem:$0x1D100] =	vst v63  }
0x60: {  	s30 =	sand.u32 $0x300, s28;
	s0 =	sadd.s32 s5, s29;
	_ =	swait.ge [sflag:s14], $0x2800  }
0x61: {  	s0 =	sor.u32 s30, s0;
	[sflag:s14] =	ssyncset.done $0x0  }
0x62: {  	s31 =	sadd.s32 $0x80, s26;
	s0 =	sshrl.u32 s0, $0x3;
	[sflag:s14] =	ssyncadd.s32 $0xFFFFD800  }
0x63: {  	[tilespmem:s17], [sflag:$0x1] =	stream.indirect.gather [hbm4b:s2+s16], $0x80, s31, s16, $0xb8;
	[tilespmem:$0x1D100] =	vst v63  }
0x64: {  	s0 =	sadd.s32 s6, s0  }
0x65: {  	[tilespmem:s18], [sflag:$0x3] =	stream.linear.gather [hbm4b:s0+s4], $0x80, $0x38;
	[tilespmem:$0x1D100] =	vst v63  }
0x66: {  	_ =	swait.ge [sflag:s23], $0x2800  }
0x67: {  	[sflag:s23] =	ssyncset.done $0x0  }
0x68: {  	[sflag:s23] =	ssyncadd.s32 $0xFFFFD800  }
0x69: {  	_ =	swait.ge [sflag:s24], $0x80  }
0x6a: {  	[sflag:s24] =	ssyncset.done $0x0  }
0x6b: {  	[sflag:s24] =	ssyncadd.s32 $0xFFFFFF80  }
0x6c: {  	[spmem:s3] =	stream.indirect.scatter.add.f32 [tilespmem:s19], [sflag:$0x6], $0x80, s20, s16, $0xb8;
	[tilespmem:$0x1D100] =	vst v63  }
0x6d: {  	_ =	swait.ge [sflag:s14], $0x2800  }
0x6e: {  	[sflag:s14] =	ssyncset.done $0x0  }
0x6f: {  	[sflag:s14] =	ssyncadd.s32 $0xFFFFD800  }
0x70: {  	_ =	swait.ge [sflag:s21], $0x2800  }
0x71: {  	[sflag:s21] =	ssyncset.done $0x0  }
0x72: {  	[sflag:s21] =	ssyncadd.s32 $0xFFFFD800  }
0x73: {  	_ =	swait.ge [sflag:s22], $0x80  }
0x74: {  	[sflag:s22] =	ssyncset.done $0x0  }
0x75: {  	[sflag:s22] =	ssyncadd.s32 $0xFFFFFF80  }
0x76: {  	[spmem:s3] =	stream.indirect.scatter.add.f32 [tilespmem:s17], [sflag:$0x6], $0x80, s18, s16, $0xb8;
	[tilespmem:$0x1D100] =	vst v63  }
0x77: {  	_ =	swait.ge [sflag:s14], $0x2800  }
0x78: {  	s25 =	sadd.s32 $0x1, s25;
	[sflag:s14] =	ssyncset.done $0x0  }
0x79: {  	p0 =	sne.s32 s25, s12;
	[sflag:s14] =	ssyncadd.s32 $0xFFFFD800  }
.Ltmp1:
0x7a: {  	[bflag:$0x0] =	sbarrier.arrive $0xFFFF;
	(pc) =	sbr.rel @p0 .LBB2_1-.Ltmp1, $4  }
0x7b: {  	[hbm:s11], [sflag:s9] =	dma.local [spmem:s13], $0x2800  }
0x7c: {  	_ =	swait.ge [sflag:s14], $0x2800  }
0x7d: {  	[sflag:s14] =	ssyncset.done $0x0  }
0x7e: {  	[sflag:s14] =	ssyncadd.s32 $0xFFFFD800  }
0x7f: {  	_ =	sfence.sel $0x180000  }
0x80: {  	[bflag:$0x0] =	sbarrier.arrive $0xFFFF  }
0x81: {  	_ =	strace $0x9000004D  }
0x82: {  	[bflag:$0x2] =	sbarrier.arrive $0xFFFF  }
0x83: {  	p0 =	sne.s32 s1, $0x0;
	s0 =	rddreg [dreg:$0x3]  }
0x84: {  	s0 =	sadd.s32 @!p0 $0x100000, s0  }
0x85: {  	[sflag:s0] =	ssyncadd.tile.s32 @!p0 $0x1;
	_ =	shalt  }
.Lfunc_end2:
_tile_overlayer_lowered:
.L_overlay_start_2:
0x86: {  	(tag) =	ssettag $0x2  }
0x87: {  	s0 =	rddreg [dreg:$0x0];
	s2 =	stileid.u32  }
0x88: {  	s1 =	rddreg [dreg:$0x1];
	p0 =	sne.s32 s2, $0x0  }
0x89: {  	s3 =	rddreg [dreg:$0x2];
	[bflag:$0x3] =	sbarrier.arrive $0xFFFF;
	s2 =	simm.s32 @!p0 $0x1C06  }
0x8a: {  	[timem:s3], [sflag:s2] =	dma.local @!p0 [hbm:s0], s1  }
0x8b: {  	s0 =	simm.s32 @!p0 $0x6  }
0x8c: {  	_ =	swait.ge @!p0 [sflag:s0], s1  }
0x8d: {  	s1 =	ssub.s32 @!p0 $0x0, s1;
	[sflag:s0] =	ssyncset.done @!p0 $0x0  }
0x8e: {  	[sflag:s0] =	ssyncadd.s32 @!p0 s1  }
0x8f: {  	[bflag:$0x3] =	sbarrier.arrive $0xFFFF  }
0x90: {  	_ =	shalt  }

// kernel: kernel.8.cloned.1.call-start
scs
__scs_entry_jumppad:
0x0: {  	(pc) =	sbr.rel $0x88, $3  }
0x1: {  	(tag) =	ssettag $0x0;
	lr =	simm.s32 $0x1  }
0x2: {  	[smem:$0x3F9A] =	sst lr;
	_ =	strace $0xD0000000  }
0x3: {  	_ = 	snop  }
0x4: {  	_ = 	snop  }
0x5: {  	_ = 	snop  }
0x6: {  	_ = 	snop  }
0x7: {  	_ = 	snop  }
__scs_overlays_trampoline_lowered:
0x8: {  	[smem:$0x3FA9] =	sst s0  }
0x9: {  	[smem:$0x3FAA] =	sst s1  }
0xa: {  	[smem:$0x3FAB] =	sst s2  }
0xb: {  	[smem:$0x3FAC] =	sst s3  }
0xc: {  	[smem:$0x3FAD] =	sst s4  }
0xd: {  	[smem:$0x3FAE] =	sst s5  }
0xe: {  	[smem:$0x3FAF] =	sst s6  }
0xf: {  	[smem:$0x3FB0] =	sst s7  }
0x10: {  	[smem:$0x3FB1] =	sst s8  }
0x11: {  	[smem:$0x3FB2] =	sst s9;
	s0 =	simm.s32 @!p0 $0x0  }
0x12: {  	s1 =	sld [smem:$0x3F98];
	s0 =	simm.s32 @p0 $0x1  }
0x13: {  	[smem:$0x3FB3] =	sst s0;
	s0 =	simm.s32 @!p1 $0x0  }
0x14: {  	s2 =	sld [smem:$0x3F97];
	s0 =	simm.s32 @p1 $0x1  }
0x15: {  	[smem:$0x3FB4] =	sst s0;
	s0 =	simm.s32 @!p2 $0x0  }
0x16: {  	s3 =	sld [smem:$0x3FDB];
	s0 =	simm.s32 @p2 $0x1  }
0x17: {  	s4 =	simm.s32 $0x1BF5;
	[smem:$0x3FB6] =	sst s0  }
0x18: {  	s0 =	sld [smem:$0x3F99];
	_ =	swait.ge [sflag:s4], $0x0  }
0x19: {  	s7 =	sld [smem:$0x3F9A]  }
0x1a: {  	s8 =	sadd.s32 $0xFFFFE003, lr  }
0x1b: {  	s9 =	sadd.s32 $0xFFFFFEF7, lr;
	s5 =	simm.s32 $0xFFFFFFFF;
	p2 =	slt.u32 s8, $0xFFFFF086  }
0x1c: {  	p1 =	slt.u32 s9, $0xF7A;
	s5 =	simm.s32 @!p2 $0x0  }
0x1d: {  	s5 =	simm.s32 @p1 $0x1;
	p0 =	seq.s32 s7, s2  }
0x1e: {  	s7 =	smul.u32 @!p0 $0xF7A, s2;
	p2 =	seq.s32 @!p0 s5, $0x0  }
0x1f: {  	s9 =	smul.u32 $0xF7A, s1;
	s8 =	simm.s32 @!p0 $0x1BF5;
	p2 =	por !p2, p0  }
0x20: {  	[sflag:s8] =	ssyncset.s32 @!p0 $0xFFFFF086;
	s6 =	sadd.s32 @!p0 s3, s7;
	s7 =	simm.s32 @!p0 $0x108  }
0x21: {  	s3 =	sadd.s32 s3, s9;
	s6 =	sadd.s32 @!p0 $0x88, s6;
	s7 =	simm.s32 @p2 $0x1082  }
0x22: {  	[simem:s7], [sflag:s8] =	dma.local @!p0 [hbm:s6], $0xF7A  }
0x23: {  	s9 =	sor.u32 $0xD0000000, s2;
	s6 =	simm.s32 $0x108;
	_ =	swait.ge @!p0 [sflag:s8], $0x0  }
0x24: {  	s3 =	sadd.s32 $0x88, s3;
	s6 =	simm.s32 @!p1 $0x1082;
	[sflag:s4] =	ssyncset.s32 $0xFFFFF086  }
0x25: {  	[simem:s6], [sflag:s4] =	dma.local [hbm:s3], $0xF7A  }
0x26: {  	[smem:$0x3F9A] =	sst s1;
	(tag) =	ssettag s2;
	_ =	strace s9  }
0x27: {  	s1 =	sld [smem:$0x3FAA]  }
0x28: {  	s2 =	sld [smem:$0x3FAB]  }
0x29: {  	s4 =	sld [smem:$0x3FAD]  }
0x2a: {  	p0 =	seq.s32 s5, $0x0;
	s5 =	sld [smem:$0x3FAE]  }
0x2b: {  	s6 =	sld [smem:$0x3FAF]  }
0x2c: {  	s7 =	sld [smem:$0x3FB0]  }
0x2d: {  	s3 =	simm.s32 $0x108;
	s8 =	sld [smem:$0x3FB1]  }
0x2e: {  	s3 =	simm.s32 @!p0 $0x1082;
	s9 =	sld [smem:$0x3FB2]  }
0x2f: {  	lr =	sadd.s32 s0, s3;
	s0 =	sld [smem:$0x3FA9]  }
0x30: {  	s3 =	sld [smem:$0x3FAC]  }
0x31: {  	[smem:$0x3FB5] =	sst s10  }
0x32: {  	s10 =	sld [smem:$0x3FB3];
	_ =	sdelay $0x3  }
0x33: {  	p0 =	seq.s32 s10, $0x1;
	s10 =	sld [smem:$0x3FB5];
	_ =	sdelay $0x3  }
0x34: {  	[smem:$0x3FB5] =	sst s10  }
0x35: {  	s10 =	sld [smem:$0x3FB4];
	_ =	sdelay $0x3  }
0x36: {  	p1 =	seq.s32 s10, $0x1;
	s10 =	sld [smem:$0x3FB5];
	_ =	sdelay $0x3  }
0x37: {  	[smem:$0x3FB5] =	sst s10  }
0x38: {  	s10 =	sld [smem:$0x3FB6]  }
0x39: {  	_ = 	snop;
	(pc) =	sbr.ind lr, $3  }
0x3a: {  	_ = 	snop  }
0x3b: {  	_ = 	snop  }
0x3c: {  	p2 =	seq.s32 s10, $0x1;
	s10 =	sld [smem:$0x3FB5]  }
0x3d: {  	_ =	shalt  }
0x3e: {  	_ =	shalt  }
0x3f: {  	_ =	shalt  }
0x40: {  	_ =	shalt  }
0x41: {  	_ =	shalt  }
0x42: {  	_ =	shalt  }
0x43: {  	_ =	shalt  }
0x44: {  	_ =	shalt  }
0x45: {  	_ =	shalt  }
0x46: {  	_ =	shalt  }
0x47: {  	_ =	shalt  }
0x48: {  	_ =	shalt  }
0x49: {  	_ =	shalt  }
0x4a: {  	_ =	shalt  }
0x4b: {  	_ =	shalt  }
0x4c: {  	_ =	shalt  }
0x4d: {  	_ =	shalt  }
0x4e: {  	_ =	shalt  }
0x4f: {  	_ =	shalt  }
0x50: {  	_ =	shalt  }
0x51: {  	_ =	shalt  }
0x52: {  	_ =	shalt  }
0x53: {  	_ =	shalt  }
0x54: {  	_ =	shalt  }
0x55: {  	_ =	shalt  }
0x56: {  	_ =	shalt  }
0x57: {  	_ =	shalt  }
0x58: {  	_ =	shalt  }
0x59: {  	_ =	shalt  }
0x5a: {  	_ =	shalt  }
0x5b: {  	_ =	shalt  }
0x5c: {  	_ =	shalt  }
0x5d: {  	_ =	shalt  }
0x5e: {  	_ =	shalt  }
0x5f: {  	_ =	shalt  }
0x60: {  	_ =	shalt  }
0x61: {  	_ =	shalt  }
0x62: {  	_ =	shalt  }
0x63: {  	_ =	shalt  }
0x64: {  	_ =	shalt  }
0x65: {  	_ =	shalt  }
0x66: {  	_ =	shalt  }
0x67: {  	_ =	shalt  }
0x68: {  	_ =	shalt  }
0x69: {  	_ =	shalt  }
0x6a: {  	_ =	shalt  }
0x6b: {  	_ =	shalt  }
0x6c: {  	_ =	shalt  }
0x6d: {  	_ =	shalt  }
0x6e: {  	_ =	shalt  }
0x6f: {  	_ =	shalt  }
0x70: {  	_ =	shalt  }
0x71: {  	_ =	shalt  }
0x72: {  	_ =	shalt  }
0x73: {  	_ =	shalt  }
0x74: {  	_ =	shalt  }
0x75: {  	_ =	shalt  }
0x76: {  	_ =	shalt  }
0x77: {  	_ =	shalt  }
0x78: {  	_ =	shalt  }
0x79: {  	_ =	shalt  }
0x7a: {  	_ =	shalt  }
0x7b: {  	_ =	shalt  }
0x7c: {  	_ =	shalt  }
0x7d: {  	_ =	shalt  }
0x7e: {  	_ =	shalt  }
0x7f: {  	_ =	shalt  }
0x80: {  	_ =	shalt  }
0x81: {  	_ =	shalt  }
0x82: {  	_ =	shalt  }
0x83: {  	_ =	shalt  }
0x84: {  	_ =	shalt  }
0x85: {  	_ =	shalt  }
0x86: {  	_ =	shalt  }
0x87: {  	_ =	shalt  }
.Lfunc_end0:
.L_simem_size_0:
called_computation_lowered:
.L_overlay_start_0:
0x88: {  	s2 =	sld [smem:$0x3FD9]  }
0x89: {  	s3 =	sld [smem:$0x3FFE];
	_ =	sdelay $0x1  }
0x8a: {  	s1 =	srdreg.scid  }
0x8b: {  	s0 =	sand.u32 $0x1, s1  }
0x8c: {  	s17 =	sshll.u32 s0, $0xA;
	s2 =	sadd.s32 s3, s2  }
0x8d: {  	s2 =	sadd.s32 s2, s17  }
0x8e: {  	[smem:$0x3FC1] =	sst s2  }
0x8f: {  	_ = 	snop  }
0x90: {  	s2 =	sld [smem:$0x3FD0];
	(tm) =	ssettm $0x1  }
0x91: {  	s18 =	sld [smem:$0x3FFB];
	_ =	sdelay $0x3  }
0x92: {  	_ =	strace s18  }
0x93: {  	s3 =	sld [smem:$0x3FFC];
	_ =	sdelay $0x3  }
0x94: {  	_ =	strace s3  }
0x95: {  	s3 =	sld [smem:$0x3FFD];
	_ =	sdelay $0x3  }
0x96: {  	_ =	strace s3  }
0x97: {  	_ =	strace $0x8FFFFFFF  }
0x98: {  	s19 =	sld [smem:$0x3FDB];
	_ =	sdelay $0x1  }
0x99: {  	s4 =	simm.s32 $_scs_section_size  }
0x9a: {  	s5 =	simm.s32 $_size__tile_overlayer_lowered;
	s6 =	simm.s32 $_tile_overlayer_lowered  }
0x9b: {  	s22 =	simm.s32 $0x1BFF;
	s21 =	sshll.u32 s6, $0x1;
	s3 =	sadd.s32 s4, s19  }
0x9c: {  	s7 =	simm.s32 $0x0;
	s20 =	sshll.u32 s5, $0x1;
	s5 =	sadd.s32 s21, s3  }
0x9d: {  	[timem:s7], [sflag:s22] =	dma.local [hbm:s5], s20  }
0x9e: {  	_ =	swait.ge [sflag:s22], s20  }
0x9f: {  	s4 =	ssub.s32 $0x0, s20;
	[sflag:s22] =	ssyncset.done $0x0  }
0xa0: {  	[sflag:s22] =	ssyncadd.s32 s4;
	_ =	sdelay $0x1  }
0xa1: {  	s23 =	simm.s32 $0x1B8B  }
0xa2: {  	_ =	swait.ge [sflag:s23], $0x1  }
0xa3: {  	[sflag:s23] =	ssyncset.done $0x0  }
0xa4: {  	s25 =	simm.s32 $0x1B8E;
	s24 =	sld [smem:$0x3FFE];
	[sflag:s23] =	ssyncadd.s32 $0xFFFFFFFF  }
0xa5: {  	s26 =	simm.s32 $execute0_lowered;
	[smem:$0x3FD2] =	sst s25  }
0xa6: {  	s5 =	sshll.u32 s26, $0x1;
	_ =	strace $0x80000046;
	[dreg:$0x1] =	wrdreg $0xFFFFFFFF  }
0xa7: {  	s28 =	simm.s32 $_size_execute0_lowered;
	s3 =	sadd.s32 s3, s5;
	[dreg:$0x0] =	wrdreg $0x0  }
0xa8: {  	s5 =	sshll.u32 s28, $0x1;
	[dreg:$0x2] =	wrdreg s3  }
0xa9: {  	[dreg:$0x3] =	wrdreg s5  }
0xaa: {  	[dreg:$0x4] =	wrdreg $0xC0  }
0xab: {  	_ =	task [dreg:s7], $0x5FFFF  }
0xac: {  	[dreg:$0x1] =	wrdreg $0xFFFFFFFF  }
0xad: {  	[dreg:$0x0] =	wrdreg $0x60  }
0xae: {  	[dreg:$0x2] =	wrdreg s2  }
0xaf: {  	[dreg:$0x3] =	wrdreg s24  }
0xb0: {  	[dreg:$0x4] =	wrdreg $0xA8800  }
0xb1: {  	[dreg:$0x5] =	wrdreg $0x9  }
0xb2: {  	_ =	task.clear_ibuf [dreg:s7], $0x6FFFF;
	_ =	strace $0x90000046  }
0xb3: {  	s29 =	simm.s32 $0x9;
	_ =	strace $0x80000048  }
0xb4: {  	_ =	swait.ge [sflag:s29], $0x1  }
0xb5: {  	[sflag:s29] =	ssyncadd.s32 $0xFFFFFFFF  }
0xb6: {  	_ =	strace $0x90000048  }
0xb7: {  	_ =	sfence  }
0xb8: {  	s30 =	sld [smem:$0x0];
	_ =	sdelay $0x2  }
0xb9: {  	s31 =	sshll.u32 s1, $0xD;
	s1 =	sshrl.u32 s1, $0x2  }
0xba: {  	s3 =	sand.u32 $0x4000, s31;
	s1 =	sadd.s32 s1, s30  }
0xbb: {  	s0 =	sor.u32 s3, s0;
	s1 =	sshll.u32 s1, $0x11  }
0xbc: {  	s0 =	sor.u32 s1, s0  }
0xbd: {  	s0 =	sadd.s32 $0x8F2B, s0  }
0xbe: {  	[sflag:s0] =	ssyncadd.remote.s32 $0x1  }
0xbf: {  	_ =	sfence.sel $0xFFFF  }
0xc0: {  	[dreg:$0x0] =	wrdreg $0xFFFFFFFF;
	(pc) =	sbr.abs _section_cstart, $3  }
0xc1: {  	[dreg:$0x1] =	wrdreg $0xFFFFFFFF  }
0xc2: {  	_ =	task.clear_ibuf [dreg:s7], $0x2FFFF;
	_ =	strace $0x9FFFFFFF  }
0xc3: {  	(tm) =	ssettm $0x7FFFFFFF  }
tec
execute0_lowered:
.L_overlay_start_1:
0x0: {  	(tag) =	ssettag $0x1  }
0x1: {  	s5 =	rddreg [dreg:$0x0]  }
0x2: {  	s6 =	rddreg [dreg:$0x1]  }
0x3: {  	s1 =	rddreg [dreg:$0x2]  }
0x4: {  	s2 =	srdreg.scid;
	s0 =	rddreg [dreg:$0x3]  }
0x5: {  	s3 =	simm.s32 $0x0;
	s11 =	simm.s32 $0x8000;
	s12 =	simm.s32 $0x50  }
0x6: {  	s13 =	simm.s32 $0xA800;
	s7 =	sand.u32 $0x1, s2;
	s2 =	stileid.u32  }
0x7: {  	[smem:$0x7FF] =	sst s3;
	s4 =	smul.u32 $0x2800, s7;
	s8 =	sshll.u32 s2, $0xA  }
0x8: {  	_ =	strace $0x80000047;
	s9 =	ssub.s32 $0x2, s7;
	s30 =	sshll.u32 s2, $0xC  }
0x9: {  	s7 =	sshll.u32 s7, $0x10;
	p0 =	sgt.u32 s2, $0x9;
	s10 =	sshrl.u32 s9, $0x1  }
0xa: {  	s31 =	sshrl.u32 s30, $0x2;
	s5 =	sadd.s32 s5, s30;
	s8 =	sadd.s32 s8, s4  }
0xb: {  	s4 =	sadd.s32 $0x2200, s6;
	s29 =	ssub.s32 s9, s10;
	s9 =	sadd.s32 s31, s1  }
0xc: {  	v0 =	vlaneseq.u32;
	s5 =	sadd.s32 s7, s5;
	s10 =	simm.s32 $0x1;
	s8 =	sshrl.u32 s8, $0x3  }
0xd: {  	v1 =	vimm.f32 $0.0e+00;
	v6 =	vimm.f32 $1.000000000e+00;
	v2 =	vor.u32 $0x10, v0;
	s7 =	smax.u32 s29, $0x1;
	s6 =	sadd.s32 s8, s6;
	s8 =	sshll.u32 @!p0 s2, $0x6  }
0xe: {  	v3 =	vor.u32 $0x20, v0;
	v4 =	vor.u32 $0x30, v0;
	v5 =	vor.u32 $0x40, v0;
	s9 =	sshrl.u32 @!p0 s9, $0x3;
	s6 =	sadd.s32 $0x2400, s6;
	s8 =	sor.u32 @!p0 $0x1C01, s8  }
.LBB2_1:
0xf: {  	s14 =	simm.s32 $0x0;
	s15 =	simm.s32 $0x200  }
.LBB2_2:
0x10: {  	p1 =	sne.s32 s15, $0x9E00;
	[tilespmem:s14+$0x8070] =	vst v1  }
0x11: {  	[tilespmem:s14+$0x8000] =	vst v1  }
0x12: {  	[tilespmem:s14+$0x8010] =	vst v1  }
.Ltmp0:
0x13: {  	[tilespmem:s14+$0x8020] =	vst v1;
	(pc) =	sbr.rel @p1 .LBB2_2-.Ltmp0, $4  }
0x14: {  	[tilespmem:s14+$0x8030] =	vst v1  }
0x15: {  	[tilespmem:s14+$0x8040] =	vst v1  }
0x16: {  	[tilespmem:s14+$0x8050] =	vst v1  }
0x17: {  	[tilespmem:s14+$0x8060] =	vst v1;
	s14 =	sshra.s32 s15, $0x2;
	s15 =	sadd.s32 $0x200, s15  }
0x18: {  	[tilespmem:s14+$0x8070] =	vst v1  }
0x19: {  	[tilespmem:s14+$0x8000] =	vst v1  }
0x1a: {  	[tilespmem:s14+$0x8010] =	vst v1  }
0x1b: {  	[tilespmem:s14+$0x8020] =	vst v1  }
0x1c: {  	[tilespmem:s14+$0x8030] =	vst v1  }
0x1d: {  	[tilespmem:s14+$0x8040] =	vst v1  }
0x1e: {  	[tilespmem:s14+$0x8050] =	vst v1  }
0x1f: {  	[tilespmem:s14+$0x8060] =	vst v1  }
0x20: {  	[tilespmem:$0xA800] =	vst v0  }
0x21: {  	[tilespmem:$0xA810] =	vst v2  }
0x22: {  	[tilespmem:$0xA820] =	vst v3  }
0x23: {  	[tilespmem:$0xA830] =	vst v4  }
0x24: {  	s14 =	simm.s32 @!p0 $0x1;
	[tilespmem:$0xA840] =	vst v5  }
0x25: {  	[spmem:s9], [sflag:s8] =	dma.local @!p0 [hbm:s4], $0x80  }
0x26: {  	_ =	swait.ge @!p0 [sflag:s14], $0x80  }
0x27: {  	[sflag:s14] =	ssyncset.done @!p0 $0x0  }
0x28: {  	[sflag:s14] =	ssyncadd.s32 @!p0 $0xFFFFFF80  }
0x29: {  	s14 =	simm.s32 $0x0;
	[bflag:$0x0] =	sbarrier.arrive $0xFFFF  }
0x2a: {  	[tilespmem:s14], [sflag:$0x1] =	stream.linear.gather [hbm4b:s5+s14], $0x7D00, $0x38;
	[tilespmem:$0xAB00] =	vst v63  }
0x2b: {  	_ =	swait.ge [sflag:s10], $0x7D00  }
0x2c: {  	[sflag:s10] =	ssyncset.done $0x0  }
0x2d: {  	[sflag:s10] =	ssyncadd.s32 $0xFFFF8300  }
.LBB2_4:
0x2e: {  	s15 =	sshra.s32 s14, $0x2  }
0x2f: {  	v7 =	vld [tilespmem:s15+$0x0];
	_ =	sdelay $0x7  }
0x30: {  	[tilespmem:v7+s11+$0x0] =	vst.idx.add.f32.msk $0xffff, v6  }
0x31: {  	v7 =	vld [tilespmem:s15+$0x10];
	_ =	sdelay $0x7  }
0x32: {  	[tilespmem:v7+s11+$0x0] =	vst.idx.add.f32.msk $0xffff, v6  }
0x33: {  	v7 =	vld [tilespmem:s15+$0x20];
	_ =	sdelay $0x7  }
0x34: {  	[tilespmem:v7+s11+$0x0] =	vst.idx.add.f32.msk $0xffff, v6  }
0x35: {  	v7 =	vld [tilespmem:s15+$0x30];
	_ =	sdelay $0x7  }
0x36: {  	[tilespmem:v7+s11+$0x0] =	vst.idx.add.f32.msk $0xffff, v6  }
0x37: {  	v7 =	vld [tilespmem:s15+$0x40];
	_ =	sdelay $0x2  }
0x38: {  	p1 =	sne.s32 s14, $0x1F200  }
.Ltmp1:
0x39: {  	_ = 	snop;
	(pc) =	sbr.rel @p1 .LBB2_4-.Ltmp1, $2  }
0x3a: {  	_ =	sdelay $0x2  }
0x3b: {  	s14 =	sadd.s32 $0x200, s14;
	[tilespmem:v7+s11+$0x0] =	vst.idx.add.f32.msk $0xffff, v6  }
0x3c: {  	[spmem:s1] =	stream.indirect.scatter.add.f32 [tilespmem:s11], [sflag:$0x1], $0x80, s13, s12, $0xb8;
	[tilespmem:$0xAB00] =	vst v63  }
0x3d: {  	_ =	swait.ge [sflag:s10], $0x2800  }
0x3e: {  	s3 =	sadd.s32 $0x1, s3;
	[sflag:s10] =	ssyncset.done $0x0  }
0x3f: {  	p1 =	sne.s32 s3, s7;
	[sflag:s10] =	ssyncadd.s32 $0xFFFFD800  }
.Ltmp2:
0x40: {  	s14 =	simm.s32 @!p0 $0x1;
	[bflag:$0x0] =	sbarrier.arrive $0xFFFF;
	(pc) =	sbr.rel @p1 .LBB2_1-.Ltmp2, $4  }
0x41: {  	[hbm:s6], [sflag:s8] =	dma.local @!p0 [spmem:s9], $0x80  }
0x42: {  	_ =	swait.ge @!p0 [sflag:s14], $0x80  }
0x43: {  	[sflag:s14] =	ssyncset.done @!p0 $0x0  }
0x44: {  	[sflag:s14] =	ssyncadd.s32 @!p0 $0xFFFFFF80  }
0x45: {  	_ =	sfence.sel $0x180000  }
0x46: {  	[bflag:$0x0] =	sbarrier.arrive $0xFFFF  }
0x47: {  	p0 =	sne.s32 s2, $0x0;
	_ =	strace $0x90000047  }
0x48: {  	s0 =	sadd.s32 @!p0 $0x100000, s0;
	[bflag:$0x2] =	sbarrier.arrive $0xFFFF  }
0x49: {  	[sflag:s0] =	ssyncadd.tile.s32 @!p0 $0x1;
	_ =	shalt  }
.Lfunc_end2:
_tile_overlayer_lowered:
.L_overlay_start_2:
0x4a: {  	(tag) =	ssettag $0x2  }
0x4b: {  	s0 =	rddreg [dreg:$0x0];
	s2 =	stileid.u32  }
0x4c: {  	s1 =	rddreg [dreg:$0x1];
	p0 =	sne.s32 s2, $0x0  }
0x4d: {  	s3 =	rddreg [dreg:$0x2];
	[bflag:$0x3] =	sbarrier.arrive $0xFFFF;
	s2 =	simm.s32 @!p0 $0x1C01  }
0x4e: {  	[timem:s3], [sflag:s2] =	dma.local @!p0 [hbm:s0], s1  }
0x4f: {  	s0 =	simm.s32 @!p0 $0x1  }
0x50: {  	_ =	swait.ge @!p0 [sflag:s0], s1  }
0x51: {  	s1 =	ssub.s32 @!p0 $0x0, s1;
	[sflag:s0] =	ssyncset.done @!p0 $0x0  }
0x52: {  	[sflag:s0] =	ssyncadd.s32 @!p0 s1  }
0x53: {  	[bflag:$0x3] =	sbarrier.arrive $0xFFFF  }
0x54: {  	_ =	shalt  }

</sc_bundles>
